<compile_context>
chip_gen: v7x
topology: tpu7x:2x2x1
jax: 0.10.2.dev20260603
libtpu: 0.0.44.dev20260713+nightly
codegen_flags: <defaults>
</compile_context>

<pallas_src>
import functools

import jax
import jax.numpy as jnp
from jax import lax
from jax.experimental import pallas as pl
from jax.experimental.pallas import tpu as pltpu, tpu_sc as plsc

N = 100000
E = 3200000
FEAT = 2

CH = 10000
TILES = 16
CHUNKS_PER_TILE = 20
EDGES_PER_TILE = CH * CHUNKS_PER_TILE

NODES_PER_TILE = 6272
N_PAD = NODES_PER_TILE * TILES
NB = 3136
NCHUNKS = NODES_PER_TILE // NB

_mesh = plsc.VectorSubcoreMesh(core_axis_name="c", subcore_axis_name="s")


@functools.partial(
    pl.kernel,
    out_type=jax.ShapeDtypeStruct((2 * 2 * FEAT * N_PAD,), jnp.float32),
    mesh=_mesh,
    scratch_types=[
        pltpu.VMEM_SHARED((N_PAD,), jnp.float32),
        pltpu.VMEM_SHARED((N_PAD,), jnp.float32),
        pltpu.VMEM_SHARED((N_PAD,), jnp.float32),
        pltpu.VMEM_SHARED((N_PAD,), jnp.float32),
        pltpu.VMEM_SHARED((N_PAD,), jnp.float32),
        pltpu.VMEM((CH,), jnp.int32),
        pltpu.VMEM((CH,), jnp.int32),
        pltpu.VMEM((CH,), jnp.float32),
        pltpu.VMEM((CH,), jnp.float32),
        pltpu.VMEM((CH,), jnp.float32),
        pltpu.VMEM((NB,), jnp.float32),
        pltpu.VMEM((NB,), jnp.float32),
        pltpu.VMEM((NB,), jnp.float32),
        pltpu.VMEM((NB,), jnp.float32),
        pltpu.VMEM((NB,), jnp.float32),
        pltpu.VMEM((NB,), jnp.float32),
        pltpu.VMEM((NB,), jnp.float32),
        pltpu.SemaphoreType.DMA,
        pltpu.SemaphoreType.DMA,
        pltpu.SemaphoreType.DMA,
        pltpu.SemaphoreType.DMA,
        pltpu.SemaphoreType.DMA,
        pltpu.SemaphoreType.DMA,
        pltpu.SemaphoreType.DMA,
    ],
)
def _mp_kernel(x0_hbm, x1_hbm, fwd_hbm, rev_hbm, ones_hbm, zeros_hbm,
               out_hbm, table0, table1, acc0, acc1, cnt,
               sidx, didx, msg0, msg1, ones_v,
               ns0, ns1, ncnt, nh0, nh1, nr, zbuf,
               sem_si, sem_di, sem_g0, sem_g1, sem_s0, sem_s1, sem_c):
    c = lax.axis_index("c")
    s = lax.axis_index("s")
    node0 = s * NODES_PER_TILE

    pltpu.sync_copy(ones_hbm, ones_v)
    pltpu.sync_copy(zeros_hbm, zbuf)

    def stage_body(bi, carry):
        bsl = pl.ds(node0 + bi * NB, NB)
        h_x0 = pltpu.async_copy(x0_hbm.at[bsl], nh0, sem_si)
        h_x1 = pltpu.async_copy(x1_hbm.at[bsl], nh1, sem_di)
        h_a0 = pltpu.async_copy(zbuf, acc0.at[bsl], sem_g0)
        h_a1 = pltpu.async_copy(zbuf, acc1.at[bsl], sem_g1)
        h_cn = pltpu.async_copy(zbuf, cnt.at[bsl], sem_c)
        h_x0.wait()
        h_t0 = pltpu.async_copy(nh0, table0.at[bsl], sem_s0)
        h_x1.wait()
        h_t1 = pltpu.async_copy(nh1, table1.at[bsl], sem_s1)
        h_a0.wait()
        h_a1.wait()
        h_cn.wait()
        h_t0.wait()
        h_t1.wait()
        return carry

    lax.fori_loop(0, NCHUNKS, stage_body, 0)
    plsc.subcore_barrier()

    for r in range(2):
        def edge_phase(edges_hbm, r=r):
            def chunk_body(ci, carry):
                e0 = s * EDGES_PER_TILE + ci * CH
                h_si = pltpu.async_copy(
                    edges_hbm.at[pl.ds(e0, CH)], sidx, sem_si)
                h_di = pltpu.async_copy(
                    edges_hbm.at[pl.ds(E + e0, CH)], didx, sem_di)
                h_si.wait()
                h_g0 = pltpu.async_copy(table0.at[sidx], msg0, sem_g0)
                h_g1 = pltpu.async_copy(table1.at[sidx], msg1, sem_g1)
                h_di.wait()
                if r == 0:
                    h_c = pltpu.async_copy(ones_v, cnt.at[didx], sem_c,
                                           add=True)
                h_g0.wait()
                h_s0 = pltpu.async_copy(msg0, acc0.at[didx], sem_s0, add=True)
                h_g1.wait()
                h_s1 = pltpu.async_copy(msg1, acc1.at[didx], sem_s1, add=True)
                if r == 0:
                    h_c.wait()
                h_s0.wait()
                h_s1.wait()
                return carry

            lax.fori_loop(0, CHUNKS_PER_TILE, chunk_body, 0)

        @pl.when(c == 0)
        def _():
            edge_phase(fwd_hbm)

        @pl.when(c == 1)
        def _():
            edge_phase(rev_hbm)

        plsc.subcore_barrier()

        def norm_body(bi, carry, r=r):
            b0 = node0 + bi * NB
            bsl = pl.ds(b0, NB)
            h_l0 = pltpu.async_copy(acc0.at[bsl], ns0, sem_si)
            h_l1 = pltpu.async_copy(acc1.at[bsl], ns1, sem_di)
            h_lc = pltpu.async_copy(cnt.at[bsl], ncnt, sem_c)
            h_l0.wait()
            h_l1.wait()
            h_lc.wait()

            def inner(i, icarry, r=r):
                isl = pl.ds(i * 16, 16)
                cc = ncnt[isl]
                if r == 0:
                    rr = 1.0 / jnp.maximum(cc, 1.0)
                    nr[isl] = rr
                else:
                    rr = cc
                nh0[isl] = ns0[isl] * rr
                nh1[isl] = ns1[isl] * rr
                return icarry

            lax.fori_loop(0, NB // 16, inner, 0)
            hs = []
            if r == 0:
                hs.append(pltpu.async_copy(nr, cnt.at[bsl], sem_c))
                hs.append(pltpu.async_copy(zbuf, acc0.at[bsl], sem_si))
                hs.append(pltpu.async_copy(zbuf, acc1.at[bsl], sem_di))
                hs.append(pltpu.async_copy(nh0, table0.at[bsl], sem_g0))
                hs.append(pltpu.async_copy(nh1, table1.at[bsl], sem_g1))
            o0 = (c * 4 + 2 * r) * N_PAD + b0
            hs.append(pltpu.async_copy(nh0, out_hbm.at[pl.ds(o0, NB)],
                                       sem_s0))
            hs.append(pltpu.async_copy(nh1, out_hbm.at[pl.ds(o0 + N_PAD, NB)],
                                       sem_s1))
            for h in hs:
                h.wait()
            return carry

        lax.fori_loop(0, NCHUNKS, norm_body, 0)
        plsc.subcore_barrier()


@jax.jit
def kernel(topic_entity_one_hot, edge_index, reverse_edge_index):
    x = topic_entity_one_hot.astype(jnp.float32)
    ei = edge_index.astype(jnp.int32)
    rei = reverse_edge_index.astype(jnp.int32)

    fwd = ei.reshape(2 * E)
    rev = rei.reshape(2 * E)

    m0 = jnp.array([[1.0, 0.0]], jnp.float32)
    m1 = jnp.array([[0.0, 1.0]], jnp.float32)
    x0 = jnp.zeros((N_PAD,), jnp.float32).at[:N].set((x * m0).sum(axis=1))
    x1 = jnp.zeros((N_PAD,), jnp.float32).at[:N].set((x * m1).sum(axis=1))
    ones = jnp.ones((CH,), jnp.float32)
    zeros = jnp.zeros((NB,), jnp.float32)

    out = _mp_kernel(x0, x1, fwd, rev, ones, zeros)
    out = out.reshape(2, 2, FEAT, N_PAD)
    return out[:, :, :, :N].transpose(3, 0, 1, 2).reshape(N, 4 * FEAT)

# --- scband reference (transcript-rebuilt; emitter-appended) ---
"""Pipeline reference for scband-topic-dde-3556232921563 (READ-ONLY COPY).

The authoritative reference and input builder live on the scoring server;
editing this copy changes nothing except your own understanding.
"""

import jax, jax.numpy as jnp
import numpy as np

N_NODES = 100000
N_EDGES = 3200000
FEAT = 2
NUM_ROUNDS = 2
NUM_REVERSE_ROUNDS = 2


def setup_inputs(seed: int = 0) -> dict:
    key = jax.random.key(seed)
    k1, k2, k3 = jax.random.split(key, 3)
    topic_entity_one_hot = jax.random.uniform(k1, (N_NODES, FEAT), dtype=jnp.float32)
    edge_index = jax.random.randint(k2, (2, N_EDGES), 0, N_NODES, dtype=jnp.int64)
    reverse_edge_index = jax.random.randint(k3, (2, N_EDGES), 0, N_NODES, dtype=jnp.int64)
    return {
        "topic_entity_one_hot": topic_entity_one_hot,
        "edge_index": edge_index,
        "reverse_edge_index": reverse_edge_index,
    }


def _pe_conv(edge_index, x, num_nodes):
    # PyG MessagePassing with aggr='mean', flow source_to_target:
    # messages x_j gathered from edge_index[0] (source), aggregated at edge_index[1] (target)
    src = edge_index[0]
    dst = edge_index[1]
    msg = jnp.take(x, src, axis=0)
    summed = jax.ops.segment_sum(msg, dst, num_segments=num_nodes)
    cnt = jax.ops.segment_sum(jnp.ones((src.shape[0],), dtype=x.dtype), dst, num_segments=num_nodes)
    cnt = jnp.clip(cnt, 1.0, None)
    return summed / cnt[:, None]


def reference(topic_entity_one_hot, edge_index, reverse_edge_index):
    num_nodes = topic_entity_one_hot.shape[0]
    parts = []
    h_pe = topic_entity_one_hot
    for _ in range(NUM_ROUNDS):
        h_pe = _pe_conv(edge_index, h_pe, num_nodes)
        parts.append(h_pe)
    h_pe_rev = topic_entity_one_hot
    for _ in range(NUM_REVERSE_ROUNDS):
        h_pe_rev = _pe_conv(reverse_edge_index, h_pe_rev, num_nodes)
        parts.append(h_pe_rev)
    return jnp.concatenate(parts, axis=1)

if __name__ == "__main__":
    import jax
    _d = setup_inputs()
    print(jax.jit(kernel)(*tuple(_d.values())))

</pallas_src>

<mosaic_0001>
#map = affine_map<(d0, d1) -> (0)>
module attributes {stable_mosaic.version = 14 : i64} {
  func.func @_mp_kernel(%arg0: i32, %arg1: i32, %arg2: memref<100352xf32, #tpu.memory_space<hbm>>, %arg3: memref<100352xf32, #tpu.memory_space<hbm>>, %arg4: memref<6400000xi32, #tpu.memory_space<hbm>>, %arg5: memref<6400000xi32, #tpu.memory_space<hbm>>, %arg6: memref<10000xf32, #tpu.memory_space<hbm>>, %arg7: memref<3136xf32, #tpu.memory_space<hbm>>, %arg8: memref<802816xf32, #tpu.memory_space<hbm>>, %arg9: memref<100352xf32, #tpu.memory_space<vmem_shared>>, %arg10: memref<100352xf32, #tpu.memory_space<vmem_shared>>, %arg11: memref<100352xf32, #tpu.memory_space<vmem_shared>>, %arg12: memref<100352xf32, #tpu.memory_space<vmem_shared>>, %arg13: memref<100352xf32, #tpu.memory_space<vmem_shared>>, %arg14: memref<10000xi32, #tpu.memory_space<vmem>>, %arg15: memref<10000xi32, #tpu.memory_space<vmem>>, %arg16: memref<10000xf32, #tpu.memory_space<vmem>>, %arg17: memref<10000xf32, #tpu.memory_space<vmem>>, %arg18: memref<10000xf32, #tpu.memory_space<vmem>>, %arg19: memref<3136xf32, #tpu.memory_space<vmem>>, %arg20: memref<3136xf32, #tpu.memory_space<vmem>>, %arg21: memref<3136xf32, #tpu.memory_space<vmem>>, %arg22: memref<3136xf32, #tpu.memory_space<vmem>>, %arg23: memref<3136xf32, #tpu.memory_space<vmem>>, %arg24: memref<3136xf32, #tpu.memory_space<vmem>>, %arg25: memref<3136xf32, #tpu.memory_space<vmem>>, %arg26: memref<!tpu.dma_semaphore, #tpu.memory_space<semaphore_mem>>, %arg27: memref<!tpu.dma_semaphore, #tpu.memory_space<semaphore_mem>>, %arg28: memref<!tpu.dma_semaphore, #tpu.memory_space<semaphore_mem>>, %arg29: memref<!tpu.dma_semaphore, #tpu.memory_space<semaphore_mem>>, %arg30: memref<!tpu.dma_semaphore, #tpu.memory_space<semaphore_mem>>, %arg31: memref<!tpu.dma_semaphore, #tpu.memory_space<semaphore_mem>>, %arg32: memref<!tpu.dma_semaphore, #tpu.memory_space<semaphore_mem>>) attributes {dimension_semantics = [#tpu.dimension_semantics<core_parallel>, #tpu.dimension_semantics<subcore_parallel>], iteration_bounds = array<i64: 2, 16>, scalar_prefetch = 0 : i64, scratch_operands = 24 : i64, tpu.core_type = #tpu.core_type<sc_vector_subcore>, window_params = [{transform_indices = #map}, {transform_indices = #map}, {transform_indices = #map}, {transform_indices = #map}, {transform_indices = #map}, {transform_indices = #map}, {transform_indices = #map}]} {
    %mul3A = arith.constant 6272 : i32
    %mul3A_0 = arith.muli %arg1, %mul3A : i32
    "tpu.region"() ({
      %run_scoped3A = tpu.sem_alloc : memref<!tpu.dma_semaphore, #tpu.memory_space<semaphore_mem>>
      tpu.enqueue_dma source(%arg6 : memref<10000xf32, #tpu.memory_space<hbm>>) target(%arg18 : memref<10000xf32, #tpu.memory_space<vmem>>) target_semaphore(%run_scoped3A : memref<!tpu.dma_semaphore, #tpu.memory_space<semaphore_mem>>)
      tpu.wait_dma2 semaphore(%run_scoped3A : memref<!tpu.dma_semaphore, #tpu.memory_space<semaphore_mem>>) src(%arg6 : memref<10000xf32, #tpu.memory_space<hbm>>) dst(%arg18 : memref<10000xf32, #tpu.memory_space<vmem>>)
      tpu.yield
    }) : () -> ()
    "tpu.region"() ({
      %run_scoped3A = tpu.sem_alloc : memref<!tpu.dma_semaphore, #tpu.memory_space<semaphore_mem>>
      tpu.enqueue_dma source(%arg7 : memref<3136xf32, #tpu.memory_space<hbm>>) target(%arg25 : memref<3136xf32, #tpu.memory_space<vmem>>) target_semaphore(%run_scoped3A : memref<!tpu.dma_semaphore, #tpu.memory_space<semaphore_mem>>)
      tpu.wait_dma2 semaphore(%run_scoped3A : memref<!tpu.dma_semaphore, #tpu.memory_space<semaphore_mem>>) src(%arg7 : memref<3136xf32, #tpu.memory_space<hbm>>) dst(%arg25 : memref<3136xf32, #tpu.memory_space<vmem>>)
      tpu.yield
    }) : () -> ()
    %scan3A = arith.constant 0 : i32
    %scan3A_1 = arith.constant 0 : i32
    %scan3A_2 = arith.constant 2 : i32
    %scan3A_3 = arith.addi %scan3A_1, %scan3A_2 : i32
    %scan3A_4 = arith.constant 1 : i32
    scf.for %scan3A_39 = %scan3A_1 to %scan3A_3 step %scan3A_4  : i32 {
      %mul3A_40 = arith.constant 3136 : i32
      %mul3A_41 = arith.muli %scan3A_39, %mul3A_40 : i32
      %add3A = arith.addi %mul3A_0, %mul3A_41 : i32
      %dma_start3A = tpu.memref_slice %arg2[%add3A] : memref<100352xf32, #tpu.memory_space<hbm>> -> memref<3136xf32, #tpu.memory_space<hbm>>
      %dma_start3A_42 = tpu.memref_slice %arg2[%add3A] : memref<100352xf32, #tpu.memory_space<hbm>> -> memref<3136xf32, #tpu.memory_space<hbm>>
      tpu.enqueue_dma source(%dma_start3A_42 : memref<3136xf32, #tpu.memory_space<hbm>>) target(%arg22 : memref<3136xf32, #tpu.memory_space<vmem>>) target_semaphore(%arg26 : memref<!tpu.dma_semaphore, #tpu.memory_space<semaphore_mem>>)
      %dma_start3A_43 = tpu.memref_slice %arg3[%add3A] : memref<100352xf32, #tpu.memory_space<hbm>> -> memref<3136xf32, #tpu.memory_space<hbm>>
      %dma_start3A_44 = tpu.memref_slice %arg3[%add3A] : memref<100352xf32, #tpu.memory_space<hbm>> -> memref<3136xf32, #tpu.memory_space<hbm>>
      tpu.enqueue_dma source(%dma_start3A_44 : memref<3136xf32, #tpu.memory_space<hbm>>) target(%arg23 : memref<3136xf32, #tpu.memory_space<vmem>>) target_semaphore(%arg27 : memref<!tpu.dma_semaphore, #tpu.memory_space<semaphore_mem>>)
      %dma_start3A_45 = tpu.memref_slice %arg11[%add3A] : memref<100352xf32, #tpu.memory_space<vmem_shared>> -> memref<3136xf32, #tpu.memory_space<vmem_shared>>
      %dma_start3A_46 = tpu.memref_slice %arg11[%add3A] : memref<100352xf32, #tpu.memory_space<vmem_shared>> -> memref<3136xf32, #tpu.memory_space<vmem_shared>>
      tpu.enqueue_dma source(%arg25 : memref<3136xf32, #tpu.memory_space<vmem>>) target(%dma_start3A_46 : memref<3136xf32, #tpu.memory_space<vmem_shared>>) target_semaphore(%arg28 : memref<!tpu.dma_semaphore, #tpu.memory_space<semaphore_mem>>)
      %dma_start3A_47 = tpu.memref_slice %arg12[%add3A] : memref<100352xf32, #tpu.memory_space<vmem_shared>> -> memref<3136xf32, #tpu.memory_space<vmem_shared>>
      %dma_start3A_48 = tpu.memref_slice %arg12[%add3A] : memref<100352xf32, #tpu.memory_space<vmem_shared>> -> memref<3136xf32, #tpu.memory_space<vmem_shared>>
      tpu.enqueue_dma source(%arg25 : memref<3136xf32, #tpu.memory_space<vmem>>) target(%dma_start3A_48 : memref<3136xf32, #tpu.memory_space<vmem_shared>>) target_semaphore(%arg29 : memref<!tpu.dma_semaphore, #tpu.memory_space<semaphore_mem>>)
      %dma_start3A_49 = tpu.memref_slice %arg13[%add3A] : memref<100352xf32, #tpu.memory_space<vmem_shared>> -> memref<3136xf32, #tpu.memory_space<vmem_shared>>
      %dma_start3A_50 = tpu.memref_slice %arg13[%add3A] : memref<100352xf32, #tpu.memory_space<vmem_shared>> -> memref<3136xf32, #tpu.memory_space<vmem_shared>>
      tpu.enqueue_dma source(%arg25 : memref<3136xf32, #tpu.memory_space<vmem>>) target(%dma_start3A_50 : memref<3136xf32, #tpu.memory_space<vmem_shared>>) target_semaphore(%arg32 : memref<!tpu.dma_semaphore, #tpu.memory_space<semaphore_mem>>)
      %dma_wait3A = tpu.memref_slice %arg2[%add3A] : memref<100352xf32, #tpu.memory_space<hbm>> -> memref<3136xf32, #tpu.memory_space<hbm>>
      %dma_wait3A_51 = tpu.memref_slice %arg2[%add3A] : memref<100352xf32, #tpu.memory_space<hbm>> -> memref<3136xf32, #tpu.memory_space<hbm>>
      tpu.wait_dma2 semaphore(%arg26 : memref<!tpu.dma_semaphore, #tpu.memory_space<semaphore_mem>>) src(%dma_wait3A_51 : memref<3136xf32, #tpu.memory_space<hbm>>) dst(%arg22 : memref<3136xf32, #tpu.memory_space<vmem>>)
      %dma_start3A_52 = tpu.memref_slice %arg9[%add3A] : memref<100352xf32, #tpu.memory_space<vmem_shared>> -> memref<3136xf32, #tpu.memory_space<vmem_shared>>
      %dma_start3A_53 = tpu.memref_slice %arg9[%add3A] : memref<100352xf32, #tpu.memory_space<vmem_shared>> -> memref<3136xf32, #tpu.memory_space<vmem_shared>>
      tpu.enqueue_dma source(%arg22 : memref<3136xf32, #tpu.memory_space<vmem>>) target(%dma_start3A_53 : memref<3136xf32, #tpu.memory_space<vmem_shared>>) target_semaphore(%arg30 : memref<!tpu.dma_semaphore, #tpu.memory_space<semaphore_mem>>)
      %dma_wait3A_54 = tpu.memref_slice %arg3[%add3A] : memref<100352xf32, #tpu.memory_space<hbm>> -> memref<3136xf32, #tpu.memory_space<hbm>>
      %dma_wait3A_55 = tpu.memref_slice %arg3[%add3A] : memref<100352xf32, #tpu.memory_space<hbm>> -> memref<3136xf32, #tpu.memory_space<hbm>>
      tpu.wait_dma2 semaphore(%arg27 : memref<!tpu.dma_semaphore, #tpu.memory_space<semaphore_mem>>) src(%dma_wait3A_55 : memref<3136xf32, #tpu.memory_space<hbm>>) dst(%arg23 : memref<3136xf32, #tpu.memory_space<vmem>>)
      %dma_start3A_56 = tpu.memref_slice %arg10[%add3A] : memref<100352xf32, #tpu.memory_space<vmem_shared>> -> memref<3136xf32, #tpu.memory_space<vmem_shared>>
      %dma_start3A_57 = tpu.memref_slice %arg10[%add3A] : memref<100352xf32, #tpu.memory_space<vmem_shared>> -> memref<3136xf32, #tpu.memory_space<vmem_shared>>
      tpu.enqueue_dma source(%arg23 : memref<3136xf32, #tpu.memory_space<vmem>>) target(%dma_start3A_57 : memref<3136xf32, #tpu.memory_space<vmem_shared>>) target_semaphore(%arg31 : memref<!tpu.dma_semaphore, #tpu.memory_space<semaphore_mem>>)
      %dma_wait3A_58 = tpu.memref_slice %arg11[%add3A] : memref<100352xf32, #tpu.memory_space<vmem_shared>> -> memref<3136xf32, #tpu.memory_space<vmem_shared>>
      %dma_wait3A_59 = tpu.memref_slice %arg11[%add3A] : memref<100352xf32, #tpu.memory_space<vmem_shared>> -> memref<3136xf32, #tpu.memory_space<vmem_shared>>
      tpu.wait_dma2 semaphore(%arg28 : memref<!tpu.dma_semaphore, #tpu.memory_space<semaphore_mem>>) src(%arg25 : memref<3136xf32, #tpu.memory_space<vmem>>) dst(%dma_wait3A_59 : memref<3136xf32, #tpu.memory_space<vmem_shared>>)
      %dma_wait3A_60 = tpu.memref_slice %arg12[%add3A] : memref<100352xf32, #tpu.memory_space<vmem_shared>> -> memref<3136xf32, #tpu.memory_space<vmem_shared>>
      %dma_wait3A_61 = tpu.memref_slice %arg12[%add3A] : memref<100352xf32, #tpu.memory_space<vmem_shared>> -> memref<3136xf32, #tpu.memory_space<vmem_shared>>
      tpu.wait_dma2 semaphore(%arg29 : memref<!tpu.dma_semaphore, #tpu.memory_space<semaphore_mem>>) src(%arg25 : memref<3136xf32, #tpu.memory_space<vmem>>) dst(%dma_wait3A_61 : memref<3136xf32, #tpu.memory_space<vmem_shared>>)
      %dma_wait3A_62 = tpu.memref_slice %arg13[%add3A] : memref<100352xf32, #tpu.memory_space<vmem_shared>> -> memref<3136xf32, #tpu.memory_space<vmem_shared>>
      %dma_wait3A_63 = tpu.memref_slice %arg13[%add3A] : memref<100352xf32, #tpu.memory_space<vmem_shared>> -> memref<3136xf32, #tpu.memory_space<vmem_shared>>
      tpu.wait_dma2 semaphore(%arg32 : memref<!tpu.dma_semaphore, #tpu.memory_space<semaphore_mem>>) src(%arg25 : memref<3136xf32, #tpu.memory_space<vmem>>) dst(%dma_wait3A_63 : memref<3136xf32, #tpu.memory_space<vmem_shared>>)
      %dma_wait3A_64 = tpu.memref_slice %arg9[%add3A] : memref<100352xf32, #tpu.memory_space<vmem_shared>> -> memref<3136xf32, #tpu.memory_space<vmem_shared>>
      %dma_wait3A_65 = tpu.memref_slice %arg9[%add3A] : memref<100352xf32, #tpu.memory_space<vmem_shared>> -> memref<3136xf32, #tpu.memory_space<vmem_shared>>
      tpu.wait_dma2 semaphore(%arg30 : memref<!tpu.dma_semaphore, #tpu.memory_space<semaphore_mem>>) src(%arg22 : memref<3136xf32, #tpu.memory_space<vmem>>) dst(%dma_wait3A_65 : memref<3136xf32, #tpu.memory_space<vmem_shared>>)
      %dma_wait3A_66 = tpu.memref_slice %arg10[%add3A] : memref<100352xf32, #tpu.memory_space<vmem_shared>> -> memref<3136xf32, #tpu.memory_space<vmem_shared>>
      %dma_wait3A_67 = tpu.memref_slice %arg10[%add3A] : memref<100352xf32, #tpu.memory_space<vmem_shared>> -> memref<3136xf32, #tpu.memory_space<vmem_shared>>
      tpu.wait_dma2 semaphore(%arg31 : memref<!tpu.dma_semaphore, #tpu.memory_space<semaphore_mem>>) src(%arg23 : memref<3136xf32, #tpu.memory_space<vmem>>) dst(%dma_wait3A_67 : memref<3136xf32, #tpu.memory_space<vmem_shared>>)
    }
    %scan3A_5 = arith.constant 2 : i32
    %barrier3A = arith.constant 0 : index
    tpu.barrier barrier_id(%barrier3A)
    %eq3A = arith.constant 0 : i32
    %eq3A_6 = arith.cmpi eq, %arg0, %eq3A : i32
    %convert_element_type3A = arith.extui %eq3A_6 : i1 to i32
    %cond3A = arith.constant 0 : i32
    %cond3A_7 = arith.cmpi ne, %convert_element_type3A, %cond3A : i32
    scf.if %cond3A_7 {
      %scan3A_39 = arith.constant 0 : i32
      %scan3A_40 = arith.constant 0 : i32
      %scan3A_41 = arith.constant 20 : i32
      %scan3A_42 = arith.addi %scan3A_40, %scan3A_41 : i32
      %scan3A_43 = arith.constant 1 : i32
      scf.for %scan3A_45 = %scan3A_40 to %scan3A_42 step %scan3A_43  : i32 {
        %mul3A_46 = arith.constant 200000 : i32
        %mul3A_47 = arith.muli %arg1, %mul3A_46 : i32
        %mul3A_48 = arith.constant 10000 : i32
        %mul3A_49 = arith.muli %scan3A_45, %mul3A_48 : i32
        %add3A = arith.addi %mul3A_47, %mul3A_49 : i32
        %dma_start3A = tpu.memref_slice %arg4[%add3A] : memref<6400000xi32, #tpu.memory_space<hbm>> -> memref<10000xi32, #tpu.memory_space<hbm>>
        %dma_start3A_50 = tpu.memref_slice %arg4[%add3A] : memref<6400000xi32, #tpu.memory_space<hbm>> -> memref<10000xi32, #tpu.memory_space<hbm>>
        tpu.enqueue_dma source(%dma_start3A_50 : memref<10000xi32, #tpu.memory_space<hbm>>) target(%arg14 : memref<10000xi32, #tpu.memory_space<vmem>>) target_semaphore(%arg26 : memref<!tpu.dma_semaphore, #tpu.memory_space<semaphore_mem>>)
        %add3A_51 = arith.constant 3200000 : i32
        %add3A_52 = arith.addi %add3A_51, %add3A : i32
        %dma_start3A_53 = tpu.memref_slice %arg4[%add3A_52] : memref<6400000xi32, #tpu.memory_space<hbm>> -> memref<10000xi32, #tpu.memory_space<hbm>>
        %dma_start3A_54 = tpu.memref_slice %arg4[%add3A_52] : memref<6400000xi32, #tpu.memory_space<hbm>> -> memref<10000xi32, #tpu.memory_space<hbm>>
        tpu.enqueue_dma source(%dma_start3A_54 : memref<10000xi32, #tpu.memory_space<hbm>>) target(%arg15 : memref<10000xi32, #tpu.memory_space<vmem>>) target_semaphore(%arg27 : memref<!tpu.dma_semaphore, #tpu.memory_space<semaphore_mem>>)
        %dma_wait3A = tpu.memref_slice %arg4[%add3A] : memref<6400000xi32, #tpu.memory_space<hbm>> -> memref<10000xi32, #tpu.memory_space<hbm>>
        %dma_wait3A_55 = tpu.memref_slice %arg4[%add3A] : memref<6400000xi32, #tpu.memory_space<hbm>> -> memref<10000xi32, #tpu.memory_space<hbm>>
        tpu.wait_dma2 semaphore(%arg26 : memref<!tpu.dma_semaphore, #tpu.memory_space<semaphore_mem>>) src(%dma_wait3A_55 : memref<10000xi32, #tpu.memory_space<hbm>>) dst(%arg14 : memref<10000xi32, #tpu.memory_space<vmem>>)
        %dma_start3A_56 = arith.constant 0 : i32
        %dma_start3A_57 = tpu.memref_slice %arg9[%dma_start3A_56] : memref<100352xf32, #tpu.memory_space<vmem_shared>> -> memref<100352xf32, #tpu.memory_space<vmem_shared>>
        tpu.enqueue_indirect_dma source(%dma_start3A_57 : memref<100352xf32, #tpu.memory_space<vmem_shared>>) target(%arg16 : memref<10000xf32, #tpu.memory_space<vmem>>) offsets(%arg14 : memref<10000xi32, #tpu.memory_space<vmem>>) semaphore(%arg28 : memref<!tpu.dma_semaphore, #tpu.memory_space<semaphore_mem>>)
        %dma_start3A_58 = arith.constant 0 : i32
        %dma_start3A_59 = tpu.memref_slice %arg10[%dma_start3A_58] : memref<100352xf32, #tpu.memory_space<vmem_shared>> -> memref<100352xf32, #tpu.memory_space<vmem_shared>>
        tpu.enqueue_indirect_dma source(%dma_start3A_59 : memref<100352xf32, #tpu.memory_space<vmem_shared>>) target(%arg17 : memref<10000xf32, #tpu.memory_space<vmem>>) offsets(%arg14 : memref<10000xi32, #tpu.memory_space<vmem>>) semaphore(%arg29 : memref<!tpu.dma_semaphore, #tpu.memory_space<semaphore_mem>>)
        %dma_wait3A_60 = tpu.memref_slice %arg4[%add3A_52] : memref<6400000xi32, #tpu.memory_space<hbm>> -> memref<10000xi32, #tpu.memory_space<hbm>>
        %dma_wait3A_61 = tpu.memref_slice %arg4[%add3A_52] : memref<6400000xi32, #tpu.memory_space<hbm>> -> memref<10000xi32, #tpu.memory_space<hbm>>
        tpu.wait_dma2 semaphore(%arg27 : memref<!tpu.dma_semaphore, #tpu.memory_space<semaphore_mem>>) src(%dma_wait3A_61 : memref<10000xi32, #tpu.memory_space<hbm>>) dst(%arg15 : memref<10000xi32, #tpu.memory_space<vmem>>)
        %dma_start3A_62 = arith.constant 0 : i32
        %dma_start3A_63 = tpu.memref_slice %arg13[%dma_start3A_62] : memref<100352xf32, #tpu.memory_space<vmem_shared>> -> memref<100352xf32, #tpu.memory_space<vmem_shared>>
        tpu.enqueue_indirect_dma source(%arg18 : memref<10000xf32, #tpu.memory_space<vmem>>) target(%dma_start3A_63 : memref<100352xf32, #tpu.memory_space<vmem_shared>>) offsets(%arg15 : memref<10000xi32, #tpu.memory_space<vmem>>) semaphore(%arg32 : memref<!tpu.dma_semaphore, #tpu.memory_space<semaphore_mem>>) {add = true}
        %dma_wait3A_64 = arith.constant 0 : i32
        %dma_wait3A_65 = tpu.memref_slice %arg9[%dma_wait3A_64] : memref<100352xf32, #tpu.memory_space<vmem_shared>> -> memref<100352xf32, #tpu.memory_space<vmem_shared>>
        tpu.wait_indirect_dma semaphore(%arg28 : memref<!tpu.dma_semaphore, #tpu.memory_space<semaphore_mem>>) src(%dma_wait3A_65 : memref<100352xf32, #tpu.memory_space<vmem_shared>>) dst(%arg16 : memref<10000xf32, #tpu.memory_space<vmem>>)
        %dma_start3A_66 = arith.constant 0 : i32
        %dma_start3A_67 = tpu.memref_slice %arg11[%dma_start3A_66] : memref<100352xf32, #tpu.memory_space<vmem_shared>> -> memref<100352xf32, #tpu.memory_space<vmem_shared>>
        tpu.enqueue_indirect_dma source(%arg16 : memref<10000xf32, #tpu.memory_space<vmem>>) target(%dma_start3A_67 : memref<100352xf32, #tpu.memory_space<vmem_shared>>) offsets(%arg15 : memref<10000xi32, #tpu.memory_space<vmem>>) semaphore(%arg30 : memref<!tpu.dma_semaphore, #tpu.memory_space<semaphore_mem>>) {add = true}
        %dma_wait3A_68 = arith.constant 0 : i32
        %dma_wait3A_69 = tpu.memref_slice %arg10[%dma_wait3A_68] : memref<100352xf32, #tpu.memory_space<vmem_shared>> -> memref<100352xf32, #tpu.memory_space<vmem_shared>>
        tpu.wait_indirect_dma semaphore(%arg29 : memref<!tpu.dma_semaphore, #tpu.memory_space<semaphore_mem>>) src(%dma_wait3A_69 : memref<100352xf32, #tpu.memory_space<vmem_shared>>) dst(%arg17 : memref<10000xf32, #tpu.memory_space<vmem>>)
        %dma_start3A_70 = arith.constant 0 : i32
        %dma_start3A_71 = tpu.memref_slice %arg12[%dma_start3A_70] : memref<100352xf32, #tpu.memory_space<vmem_shared>> -> memref<100352xf32, #tpu.memory_space<vmem_shared>>
        tpu.enqueue_indirect_dma source(%arg17 : memref<10000xf32, #tpu.memory_space<vmem>>) target(%dma_start3A_71 : memref<100352xf32, #tpu.memory_space<vmem_shared>>) offsets(%arg15 : memref<10000xi32, #tpu.memory_space<vmem>>) semaphore(%arg31 : memref<!tpu.dma_semaphore, #tpu.memory_space<semaphore_mem>>) {add = true}
        %dma_wait3A_72 = arith.constant 0 : i32
        %dma_wait3A_73 = tpu.memref_slice %arg13[%dma_wait3A_72] : memref<100352xf32, #tpu.memory_space<vmem_shared>> -> memref<100352xf32, #tpu.memory_space<vmem_shared>>
        tpu.wait_indirect_dma semaphore(%arg32 : memref<!tpu.dma_semaphore, #tpu.memory_space<semaphore_mem>>) src(%arg18 : memref<10000xf32, #tpu.memory_space<vmem>>) dst(%dma_wait3A_73 : memref<100352xf32, #tpu.memory_space<vmem_shared>>)
        %dma_wait3A_74 = arith.constant 0 : i32
        %dma_wait3A_75 = tpu.memref_slice %arg11[%dma_wait3A_74] : memref<100352xf32, #tpu.memory_space<vmem_shared>> -> memref<100352xf32, #tpu.memory_space<vmem_shared>>
        tpu.wait_indirect_dma semaphore(%arg30 : memref<!tpu.dma_semaphore, #tpu.memory_space<semaphore_mem>>) src(%arg16 : memref<10000xf32, #tpu.memory_space<vmem>>) dst(%dma_wait3A_75 : memref<100352xf32, #tpu.memory_space<vmem_shared>>)
        %dma_wait3A_76 = arith.constant 0 : i32
        %dma_wait3A_77 = tpu.memref_slice %arg12[%dma_wait3A_76] : memref<100352xf32, #tpu.memory_space<vmem_shared>> -> memref<100352xf32, #tpu.memory_space<vmem_shared>>
        tpu.wait_indirect_dma semaphore(%arg31 : memref<!tpu.dma_semaphore, #tpu.memory_space<semaphore_mem>>) src(%arg17 : memref<10000xf32, #tpu.memory_space<vmem>>) dst(%dma_wait3A_77 : memref<100352xf32, #tpu.memory_space<vmem_shared>>)
      }
      %scan3A_44 = arith.constant 20 : i32
    } else {
    }
    %eq3A_8 = arith.constant 1 : i32
    %eq3A_9 = arith.cmpi eq, %arg0, %eq3A_8 : i32
    %convert_element_type3A_10 = arith.extui %eq3A_9 : i1 to i32
    %cond3A_11 = arith.constant 0 : i32
    %cond3A_12 = arith.cmpi ne, %convert_element_type3A_10, %cond3A_11 : i32
    scf.if %cond3A_12 {
      %scan3A_39 = arith.constant 0 : i32
      %scan3A_40 = arith.constant 0 : i32
      %scan3A_41 = arith.constant 20 : i32
      %scan3A_42 = arith.addi %scan3A_40, %scan3A_41 : i32
      %scan3A_43 = arith.constant 1 : i32
      scf.for %scan3A_45 = %scan3A_40 to %scan3A_42 step %scan3A_43  : i32 {
        %mul3A_46 = arith.constant 200000 : i32
        %mul3A_47 = arith.muli %arg1, %mul3A_46 : i32
        %mul3A_48 = arith.constant 10000 : i32
        %mul3A_49 = arith.muli %scan3A_45, %mul3A_48 : i32
        %add3A = arith.addi %mul3A_47, %mul3A_49 : i32
        %dma_start3A = tpu.memref_slice %arg5[%add3A] : memref<6400000xi32, #tpu.memory_space<hbm>> -> memref<10000xi32, #tpu.memory_space<hbm>>
        %dma_start3A_50 = tpu.memref_slice %arg5[%add3A] : memref<6400000xi32, #tpu.memory_space<hbm>> -> memref<10000xi32, #tpu.memory_space<hbm>>
        tpu.enqueue_dma source(%dma_start3A_50 : memref<10000xi32, #tpu.memory_space<hbm>>) target(%arg14 : memref<10000xi32, #tpu.memory_space<vmem>>) target_semaphore(%arg26 : memref<!tpu.dma_semaphore, #tpu.memory_space<semaphore_mem>>)
        %add3A_51 = arith.constant 3200000 : i32
        %add3A_52 = arith.addi %add3A_51, %add3A : i32
        %dma_start3A_53 = tpu.memref_slice %arg5[%add3A_52] : memref<6400000xi32, #tpu.memory_space<hbm>> -> memref<10000xi32, #tpu.memory_space<hbm>>
        %dma_start3A_54 = tpu.memref_slice %arg5[%add3A_52] : memref<6400000xi32, #tpu.memory_space<hbm>> -> memref<10000xi32, #tpu.memory_space<hbm>>
        tpu.enqueue_dma source(%dma_start3A_54 : memref<10000xi32, #tpu.memory_space<hbm>>) target(%arg15 : memref<10000xi32, #tpu.memory_space<vmem>>) target_semaphore(%arg27 : memref<!tpu.dma_semaphore, #tpu.memory_space<semaphore_mem>>)
        %dma_wait3A = tpu.memref_slice %arg5[%add3A] : memref<6400000xi32, #tpu.memory_space<hbm>> -> memref<10000xi32, #tpu.memory_space<hbm>>
        %dma_wait3A_55 = tpu.memref_slice %arg5[%add3A] : memref<6400000xi32, #tpu.memory_space<hbm>> -> memref<10000xi32, #tpu.memory_space<hbm>>
        tpu.wait_dma2 semaphore(%arg26 : memref<!tpu.dma_semaphore, #tpu.memory_space<semaphore_mem>>) src(%dma_wait3A_55 : memref<10000xi32, #tpu.memory_space<hbm>>) dst(%arg14 : memref<10000xi32, #tpu.memory_space<vmem>>)
        %dma_start3A_56 = arith.constant 0 : i32
        %dma_start3A_57 = tpu.memref_slice %arg9[%dma_start3A_56] : memref<100352xf32, #tpu.memory_space<vmem_shared>> -> memref<100352xf32, #tpu.memory_space<vmem_shared>>
        tpu.enqueue_indirect_dma source(%dma_start3A_57 : memref<100352xf32, #tpu.memory_space<vmem_shared>>) target(%arg16 : memref<10000xf32, #tpu.memory_space<vmem>>) offsets(%arg14 : memref<10000xi32, #tpu.memory_space<vmem>>) semaphore(%arg28 : memref<!tpu.dma_semaphore, #tpu.memory_space<semaphore_mem>>)
        %dma_start3A_58 = arith.constant 0 : i32
        %dma_start3A_59 = tpu.memref_slice %arg10[%dma_start3A_58] : memref<100352xf32, #tpu.memory_space<vmem_shared>> -> memref<100352xf32, #tpu.memory_space<vmem_shared>>
        tpu.enqueue_indirect_dma source(%dma_start3A_59 : memref<100352xf32, #tpu.memory_space<vmem_shared>>) target(%arg17 : memref<10000xf32, #tpu.memory_space<vmem>>) offsets(%arg14 : memref<10000xi32, #tpu.memory_space<vmem>>) semaphore(%arg29 : memref<!tpu.dma_semaphore, #tpu.memory_space<semaphore_mem>>)
        %dma_wait3A_60 = tpu.memref_slice %arg5[%add3A_52] : memref<6400000xi32, #tpu.memory_space<hbm>> -> memref<10000xi32, #tpu.memory_space<hbm>>
        %dma_wait3A_61 = tpu.memref_slice %arg5[%add3A_52] : memref<6400000xi32, #tpu.memory_space<hbm>> -> memref<10000xi32, #tpu.memory_space<hbm>>
        tpu.wait_dma2 semaphore(%arg27 : memref<!tpu.dma_semaphore, #tpu.memory_space<semaphore_mem>>) src(%dma_wait3A_61 : memref<10000xi32, #tpu.memory_space<hbm>>) dst(%arg15 : memref<10000xi32, #tpu.memory_space<vmem>>)
        %dma_start3A_62 = arith.constant 0 : i32
        %dma_start3A_63 = tpu.memref_slice %arg13[%dma_start3A_62] : memref<100352xf32, #tpu.memory_space<vmem_shared>> -> memref<100352xf32, #tpu.memory_space<vmem_shared>>
        tpu.enqueue_indirect_dma source(%arg18 : memref<10000xf32, #tpu.memory_space<vmem>>) target(%dma_start3A_63 : memref<100352xf32, #tpu.memory_space<vmem_shared>>) offsets(%arg15 : memref<10000xi32, #tpu.memory_space<vmem>>) semaphore(%arg32 : memref<!tpu.dma_semaphore, #tpu.memory_space<semaphore_mem>>) {add = true}
        %dma_wait3A_64 = arith.constant 0 : i32
        %dma_wait3A_65 = tpu.memref_slice %arg9[%dma_wait3A_64] : memref<100352xf32, #tpu.memory_space<vmem_shared>> -> memref<100352xf32, #tpu.memory_space<vmem_shared>>
        tpu.wait_indirect_dma semaphore(%arg28 : memref<!tpu.dma_semaphore, #tpu.memory_space<semaphore_mem>>) src(%dma_wait3A_65 : memref<100352xf32, #tpu.memory_space<vmem_shared>>) dst(%arg16 : memref<10000xf32, #tpu.memory_space<vmem>>)
        %dma_start3A_66 = arith.constant 0 : i32
        %dma_start3A_67 = tpu.memref_slice %arg11[%dma_start3A_66] : memref<100352xf32, #tpu.memory_space<vmem_shared>> -> memref<100352xf32, #tpu.memory_space<vmem_shared>>
        tpu.enqueue_indirect_dma source(%arg16 : memref<10000xf32, #tpu.memory_space<vmem>>) target(%dma_start3A_67 : memref<100352xf32, #tpu.memory_space<vmem_shared>>) offsets(%arg15 : memref<10000xi32, #tpu.memory_space<vmem>>) semaphore(%arg30 : memref<!tpu.dma_semaphore, #tpu.memory_space<semaphore_mem>>) {add = true}
        %dma_wait3A_68 = arith.constant 0 : i32
        %dma_wait3A_69 = tpu.memref_slice %arg10[%dma_wait3A_68] : memref<100352xf32, #tpu.memory_space<vmem_shared>> -> memref<100352xf32, #tpu.memory_space<vmem_shared>>
        tpu.wait_indirect_dma semaphore(%arg29 : memref<!tpu.dma_semaphore, #tpu.memory_space<semaphore_mem>>) src(%dma_wait3A_69 : memref<100352xf32, #tpu.memory_space<vmem_shared>>) dst(%arg17 : memref<10000xf32, #tpu.memory_space<vmem>>)
        %dma_start3A_70 = arith.constant 0 : i32
        %dma_start3A_71 = tpu.memref_slice %arg12[%dma_start3A_70] : memref<100352xf32, #tpu.memory_space<vmem_shared>> -> memref<100352xf32, #tpu.memory_space<vmem_shared>>
        tpu.enqueue_indirect_dma source(%arg17 : memref<10000xf32, #tpu.memory_space<vmem>>) target(%dma_start3A_71 : memref<100352xf32, #tpu.memory_space<vmem_shared>>) offsets(%arg15 : memref<10000xi32, #tpu.memory_space<vmem>>) semaphore(%arg31 : memref<!tpu.dma_semaphore, #tpu.memory_space<semaphore_mem>>) {add = true}
        %dma_wait3A_72 = arith.constant 0 : i32
        %dma_wait3A_73 = tpu.memref_slice %arg13[%dma_wait3A_72] : memref<100352xf32, #tpu.memory_space<vmem_shared>> -> memref<100352xf32, #tpu.memory_space<vmem_shared>>
        tpu.wait_indirect_dma semaphore(%arg32 : memref<!tpu.dma_semaphore, #tpu.memory_space<semaphore_mem>>) src(%arg18 : memref<10000xf32, #tpu.memory_space<vmem>>) dst(%dma_wait3A_73 : memref<100352xf32, #tpu.memory_space<vmem_shared>>)
        %dma_wait3A_74 = arith.constant 0 : i32
        %dma_wait3A_75 = tpu.memref_slice %arg11[%dma_wait3A_74] : memref<100352xf32, #tpu.memory_space<vmem_shared>> -> memref<100352xf32, #tpu.memory_space<vmem_shared>>
        tpu.wait_indirect_dma semaphore(%arg30 : memref<!tpu.dma_semaphore, #tpu.memory_space<semaphore_mem>>) src(%arg16 : memref<10000xf32, #tpu.memory_space<vmem>>) dst(%dma_wait3A_75 : memref<100352xf32, #tpu.memory_space<vmem_shared>>)
        %dma_wait3A_76 = arith.constant 0 : i32
        %dma_wait3A_77 = tpu.memref_slice %arg12[%dma_wait3A_76] : memref<100352xf32, #tpu.memory_space<vmem_shared>> -> memref<100352xf32, #tpu.memory_space<vmem_shared>>
        tpu.wait_indirect_dma semaphore(%arg31 : memref<!tpu.dma_semaphore, #tpu.memory_space<semaphore_mem>>) src(%arg17 : memref<10000xf32, #tpu.memory_space<vmem>>) dst(%dma_wait3A_77 : memref<100352xf32, #tpu.memory_space<vmem_shared>>)
      }
      %scan3A_44 = arith.constant 20 : i32
    } else {
    }
    %barrier3A_13 = arith.constant 0 : index
    tpu.barrier barrier_id(%barrier3A_13)
    %scan3A_14 = arith.constant 0 : i32
    %scan3A_15 = arith.constant 0 : i32
    %scan3A_16 = arith.constant 2 : i32
    %scan3A_17 = arith.addi %scan3A_15, %scan3A_16 : i32
    %scan3A_18 = arith.constant 1 : i32
    scf.for %scan3A_39 = %scan3A_15 to %scan3A_17 step %scan3A_18  : i32 {
      %mul3A_40 = arith.constant 3136 : i32
      %mul3A_41 = arith.muli %scan3A_39, %mul3A_40 : i32
      %add3A = arith.addi %mul3A_0, %mul3A_41 : i32
      %dma_start3A = tpu.memref_slice %arg11[%add3A] : memref<100352xf32, #tpu.memory_space<vmem_shared>> -> memref<3136xf32, #tpu.memory_space<vmem_shared>>
      %dma_start3A_42 = tpu.memref_slice %arg11[%add3A] : memref<100352xf32, #tpu.memory_space<vmem_shared>> -> memref<3136xf32, #tpu.memory_space<vmem_shared>>
      tpu.enqueue_dma source(%dma_start3A_42 : memref<3136xf32, #tpu.memory_space<vmem_shared>>) target(%arg19 : memref<3136xf32, #tpu.memory_space<vmem>>) target_semaphore(%arg26 : memref<!tpu.dma_semaphore, #tpu.memory_space<semaphore_mem>>)
      %dma_start3A_43 = tpu.memref_slice %arg12[%add3A] : memref<100352xf32, #tpu.memory_space<vmem_shared>> -> memref<3136xf32, #tpu.memory_space<vmem_shared>>
      %dma_start3A_44 = tpu.memref_slice %arg12[%add3A] : memref<100352xf32, #tpu.memory_space<vmem_shared>> -> memref<3136xf32, #tpu.memory_space<vmem_shared>>
      tpu.enqueue_dma source(%dma_start3A_44 : memref<3136xf32, #tpu.memory_space<vmem_shared>>) target(%arg20 : memref<3136xf32, #tpu.memory_space<vmem>>) target_semaphore(%arg27 : memref<!tpu.dma_semaphore, #tpu.memory_space<semaphore_mem>>)
      %dma_start3A_45 = tpu.memref_slice %arg13[%add3A] : memref<100352xf32, #tpu.memory_space<vmem_shared>> -> memref<3136xf32, #tpu.memory_space<vmem_shared>>
      %dma_start3A_46 = tpu.memref_slice %arg13[%add3A] : memref<100352xf32, #tpu.memory_space<vmem_shared>> -> memref<3136xf32, #tpu.memory_space<vmem_shared>>
      tpu.enqueue_dma source(%dma_start3A_46 : memref<3136xf32, #tpu.memory_space<vmem_shared>>) target(%arg21 : memref<3136xf32, #tpu.memory_space<vmem>>) target_semaphore(%arg32 : memref<!tpu.dma_semaphore, #tpu.memory_space<semaphore_mem>>)
      %dma_wait3A = tpu.memref_slice %arg11[%add3A] : memref<100352xf32, #tpu.memory_space<vmem_shared>> -> memref<3136xf32, #tpu.memory_space<vmem_shared>>
      %dma_wait3A_47 = tpu.memref_slice %arg11[%add3A] : memref<100352xf32, #tpu.memory_space<vmem_shared>> -> memref<3136xf32, #tpu.memory_space<vmem_shared>>
      tpu.wait_dma2 semaphore(%arg26 : memref<!tpu.dma_semaphore, #tpu.memory_space<semaphore_mem>>) src(%dma_wait3A_47 : memref<3136xf32, #tpu.memory_space<vmem_shared>>) dst(%arg19 : memref<3136xf32, #tpu.memory_space<vmem>>)
      %dma_wait3A_48 = tpu.memref_slice %arg12[%add3A] : memref<100352xf32, #tpu.memory_space<vmem_shared>> -> memref<3136xf32, #tpu.memory_space<vmem_shared>>
      %dma_wait3A_49 = tpu.memref_slice %arg12[%add3A] : memref<100352xf32, #tpu.memory_space<vmem_shared>> -> memref<3136xf32, #tpu.memory_space<vmem_shared>>
      tpu.wait_dma2 semaphore(%arg27 : memref<!tpu.dma_semaphore, #tpu.memory_space<semaphore_mem>>) src(%dma_wait3A_49 : memref<3136xf32, #tpu.memory_space<vmem_shared>>) dst(%arg20 : memref<3136xf32, #tpu.memory_space<vmem>>)
      %dma_wait3A_50 = tpu.memref_slice %arg13[%add3A] : memref<100352xf32, #tpu.memory_space<vmem_shared>> -> memref<3136xf32, #tpu.memory_space<vmem_shared>>
      %dma_wait3A_51 = tpu.memref_slice %arg13[%add3A] : memref<100352xf32, #tpu.memory_space<vmem_shared>> -> memref<3136xf32, #tpu.memory_space<vmem_shared>>
      tpu.wait_dma2 semaphore(%arg32 : memref<!tpu.dma_semaphore, #tpu.memory_space<semaphore_mem>>) src(%dma_wait3A_51 : memref<3136xf32, #tpu.memory_space<vmem_shared>>) dst(%arg21 : memref<3136xf32, #tpu.memory_space<vmem>>)
      %scan3A_52 = arith.constant 0 : i32
      %scan3A_53 = arith.constant 0 : i32
      %scan3A_54 = arith.constant 196 : i32
      %scan3A_55 = arith.addi %scan3A_53, %scan3A_54 : i32
      %scan3A_56 = arith.constant 1 : i32
      scf.for %scan3A_95 = %scan3A_53 to %scan3A_55 step %scan3A_56  : i32 {
        %mul3A_96 = arith.constant 16 : i32
        %mul3A_97 = arith.muli %scan3A_95, %mul3A_96 : i32
        %get3A = arith.index_cast %mul3A_97 : i32 to index
        %get3A_98 = tpu.vector_load %arg21[%get3A] {strides = array<i32>} : memref<3136xf32, #tpu.memory_space<vmem>>, vector<16xf32>,
        %get3A_99 = vector.shape_cast %get3A_98 : vector<16xf32> to vector<16xf32>
        %max3A = arith.constant 1.000000e+00 : f32
        %max3A_100 = vector.broadcast %max3A : f32 to vector<16xf32>
        %max3A_101 = arith.maximumf %get3A_99, %max3A_100 : vector<16xf32>
        %div3A = arith.constant 1.000000e+00 : f32
        %div3A_102 = vector.broadcast %div3A : f32 to vector<16xf32>
        %div3A_103 = arith.divf %div3A_102, %max3A_101 : vector<16xf32>
        %swap3A = arith.index_cast %mul3A_97 : i32 to index
        %swap3A_104 = tpu.vector_load %arg24[%swap3A] {strides = array<i32>} : memref<3136xf32, #tpu.memory_space<vmem>>, vector<16xf32>,
        %swap3A_105 = vector.shape_cast %swap3A_104 : vector<16xf32> to vector<16xf32>
        %swap3A_106 = vector.shape_cast %div3A_103 : vector<16xf32> to vector<16xf32>
        tpu.vector_store %arg24[%swap3A], %swap3A_106 {strides = array<i32>} : memref<3136xf32, #tpu.memory_space<vmem>>, vector<16xf32>,
        %get3A_107 = arith.index_cast %mul3A_97 : i32 to index
        %get3A_108 = tpu.vector_load %arg19[%get3A_107] {strides = array<i32>} : memref<3136xf32, #tpu.memory_space<vmem>>, vector<16xf32>,
        %get3A_109 = vector.shape_cast %get3A_108 : vector<16xf32> to vector<16xf32>
        %mul3A_110 = arith.mulf %get3A_109, %div3A_103 : vector<16xf32>
        %swap3A_111 = arith.index_cast %mul3A_97 : i32 to index
        %swap3A_112 = tpu.vector_load %arg22[%swap3A_111] {strides = array<i32>} : memref<3136xf32, #tpu.memory_space<vmem>>, vector<16xf32>,
        %swap3A_113 = vector.shape_cast %swap3A_112 : vector<16xf32> to vector<16xf32>
        %swap3A_114 = vector.shape_cast %mul3A_110 : vector<16xf32> to vector<16xf32>
        tpu.vector_store %arg22[%swap3A_111], %swap3A_114 {strides = array<i32>} : memref<3136xf32, #tpu.memory_space<vmem>>, vector<16xf32>,
        %get3A_115 = arith.index_cast %mul3A_97 : i32 to index
        %get3A_116 = tpu.vector_load %arg20[%get3A_115] {strides = array<i32>} : memref<3136xf32, #tpu.memory_space<vmem>>, vector<16xf32>,
        %get3A_117 = vector.shape_cast %get3A_116 : vector<16xf32> to vector<16xf32>
        %mul3A_118 = arith.mulf %get3A_117, %div3A_103 : vector<16xf32>
        %swap3A_119 = arith.index_cast %mul3A_97 : i32 to index
        %swap3A_120 = tpu.vector_load %arg23[%swap3A_119] {strides = array<i32>} : memref<3136xf32, #tpu.memory_space<vmem>>, vector<16xf32>,
        %swap3A_121 = vector.shape_cast %swap3A_120 : vector<16xf32> to vector<16xf32>
        %swap3A_122 = vector.shape_cast %mul3A_118 : vector<16xf32> to vector<16xf32>
        tpu.vector_store %arg23[%swap3A_119], %swap3A_122 {strides = array<i32>} : memref<3136xf32, #tpu.memory_space<vmem>>, vector<16xf32>,
      }
      %scan3A_57 = arith.constant 196 : i32
      %dma_start3A_58 = tpu.memref_slice %arg13[%add3A] : memref<100352xf32, #tpu.memory_space<vmem_shared>> -> memref<3136xf32, #tpu.memory_space<vmem_shared>>
      %dma_start3A_59 = tpu.memref_slice %arg13[%add3A] : memref<100352xf32, #tpu.memory_space<vmem_shared>> -> memref<3136xf32, #tpu.memory_space<vmem_shared>>
      tpu.enqueue_dma source(%arg24 : memref<3136xf32, #tpu.memory_space<vmem>>) target(%dma_start3A_59 : memref<3136xf32, #tpu.memory_space<vmem_shared>>) target_semaphore(%arg32 : memref<!tpu.dma_semaphore, #tpu.memory_space<semaphore_mem>>)
      %dma_start3A_60 = tpu.memref_slice %arg11[%add3A] : memref<100352xf32, #tpu.memory_space<vmem_shared>> -> memref<3136xf32, #tpu.memory_space<vmem_shared>>
      %dma_start3A_61 = tpu.memref_slice %arg11[%add3A] : memref<100352xf32, #tpu.memory_space<vmem_shared>> -> memref<3136xf32, #tpu.memory_space<vmem_shared>>
      tpu.enqueue_dma source(%arg25 : memref<3136xf32, #tpu.memory_space<vmem>>) target(%dma_start3A_61 : memref<3136xf32, #tpu.memory_space<vmem_shared>>) target_semaphore(%arg26 : memref<!tpu.dma_semaphore, #tpu.memory_space<semaphore_mem>>)
      %dma_start3A_62 = tpu.memref_slice %arg12[%add3A] : memref<100352xf32, #tpu.memory_space<vmem_shared>> -> memref<3136xf32, #tpu.memory_space<vmem_shared>>
      %dma_start3A_63 = tpu.memref_slice %arg12[%add3A] : memref<100352xf32, #tpu.memory_space<vmem_shared>> -> memref<3136xf32, #tpu.memory_space<vmem_shared>>
      tpu.enqueue_dma source(%arg25 : memref<3136xf32, #tpu.memory_space<vmem>>) target(%dma_start3A_63 : memref<3136xf32, #tpu.memory_space<vmem_shared>>) target_semaphore(%arg27 : memref<!tpu.dma_semaphore, #tpu.memory_space<semaphore_mem>>)
      %dma_start3A_64 = tpu.memref_slice %arg9[%add3A] : memref<100352xf32, #tpu.memory_space<vmem_shared>> -> memref<3136xf32, #tpu.memory_space<vmem_shared>>
      %dma_start3A_65 = tpu.memref_slice %arg9[%add3A] : memref<100352xf32, #tpu.memory_space<vmem_shared>> -> memref<3136xf32, #tpu.memory_space<vmem_shared>>
      tpu.enqueue_dma source(%arg22 : memref<3136xf32, #tpu.memory_space<vmem>>) target(%dma_start3A_65 : memref<3136xf32, #tpu.memory_space<vmem_shared>>) target_semaphore(%arg28 : memref<!tpu.dma_semaphore, #tpu.memory_space<semaphore_mem>>)
      %dma_start3A_66 = tpu.memref_slice %arg10[%add3A] : memref<100352xf32, #tpu.memory_space<vmem_shared>> -> memref<3136xf32, #tpu.memory_space<vmem_shared>>
      %dma_start3A_67 = tpu.memref_slice %arg10[%add3A] : memref<100352xf32, #tpu.memory_space<vmem_shared>> -> memref<3136xf32, #tpu.memory_space<vmem_shared>>
      tpu.enqueue_dma source(%arg23 : memref<3136xf32, #tpu.memory_space<vmem>>) target(%dma_start3A_67 : memref<3136xf32, #tpu.memory_space<vmem_shared>>) target_semaphore(%arg29 : memref<!tpu.dma_semaphore, #tpu.memory_space<semaphore_mem>>)
      %mul3A_68 = arith.constant 4 : i32
      %mul3A_69 = arith.muli %arg0, %mul3A_68 : i32
      %add3A_70 = arith.constant 0 : i32
      %add3A_71 = arith.addi %mul3A_69, %add3A_70 : i32
      %mul3A_72 = arith.constant 100352 : i32
      %mul3A_73 = arith.muli %add3A_71, %mul3A_72 : i32
      %add3A_74 = arith.addi %mul3A_73, %add3A : i32
      %dma_start3A_75 = tpu.memref_slice %arg8[%add3A_74] : memref<802816xf32, #tpu.memory_space<hbm>> -> memref<3136xf32, #tpu.memory_space<hbm>>
      %dma_start3A_76 = tpu.memref_slice %arg8[%add3A_74] : memref<802816xf32, #tpu.memory_space<hbm>> -> memref<3136xf32, #tpu.memory_space<hbm>>
      tpu.enqueue_dma source(%arg22 : memref<3136xf32, #tpu.memory_space<vmem>>) target(%dma_start3A_76 : memref<3136xf32, #tpu.memory_space<hbm>>) target_semaphore(%arg30 : memref<!tpu.dma_semaphore, #tpu.memory_space<semaphore_mem>>)
      %add3A_77 = arith.constant 100352 : i32
      %add3A_78 = arith.addi %add3A_74, %add3A_77 : i32
      %dma_start3A_79 = tpu.memref_slice %arg8[%add3A_78] : memref<802816xf32, #tpu.memory_space<hbm>> -> memref<3136xf32, #tpu.memory_space<hbm>>
      %dma_start3A_80 = tpu.memref_slice %arg8[%add3A_78] : memref<802816xf32, #tpu.memory_space<hbm>> -> memref<3136xf32, #tpu.memory_space<hbm>>
      tpu.enqueue_dma source(%arg23 : memref<3136xf32, #tpu.memory_space<vmem>>) target(%dma_start3A_80 : memref<3136xf32, #tpu.memory_space<hbm>>) target_semaphore(%arg31 : memref<!tpu.dma_semaphore, #tpu.memory_space<semaphore_mem>>)
      %dma_wait3A_81 = tpu.memref_slice %arg13[%add3A] : memref<100352xf32, #tpu.memory_space<vmem_shared>> -> memref<3136xf32, #tpu.memory_space<vmem_shared>>
      %dma_wait3A_82 = tpu.memref_slice %arg13[%add3A] : memref<100352xf32, #tpu.memory_space<vmem_shared>> -> memref<3136xf32, #tpu.memory_space<vmem_shared>>
      tpu.wait_dma2 semaphore(%arg32 : memref<!tpu.dma_semaphore, #tpu.memory_space<semaphore_mem>>) src(%arg24 : memref<3136xf32, #tpu.memory_space<vmem>>) dst(%dma_wait3A_82 : memref<3136xf32, #tpu.memory_space<vmem_shared>>)
      %dma_wait3A_83 = tpu.memref_slice %arg11[%add3A] : memref<100352xf32, #tpu.memory_space<vmem_shared>> -> memref<3136xf32, #tpu.memory_space<vmem_shared>>
      %dma_wait3A_84 = tpu.memref_slice %arg11[%add3A] : memref<100352xf32, #tpu.memory_space<vmem_shared>> -> memref<3136xf32, #tpu.memory_space<vmem_shared>>
      tpu.wait_dma2 semaphore(%arg26 : memref<!tpu.dma_semaphore, #tpu.memory_space<semaphore_mem>>) src(%arg25 : memref<3136xf32, #tpu.memory_space<vmem>>) dst(%dma_wait3A_84 : memref<3136xf32, #tpu.memory_space<vmem_shared>>)
      %dma_wait3A_85 = tpu.memref_slice %arg12[%add3A] : memref<100352xf32, #tpu.memory_space<vmem_shared>> -> memref<3136xf32, #tpu.memory_space<vmem_shared>>
      %dma_wait3A_86 = tpu.memref_slice %arg12[%add3A] : memref<100352xf32, #tpu.memory_space<vmem_shared>> -> memref<3136xf32, #tpu.memory_space<vmem_shared>>
      tpu.wait_dma2 semaphore(%arg27 : memref<!tpu.dma_semaphore, #tpu.memory_space<semaphore_mem>>) src(%arg25 : memref<3136xf32, #tpu.memory_space<vmem>>) dst(%dma_wait3A_86 : memref<3136xf32, #tpu.memory_space<vmem_shared>>)
      %dma_wait3A_87 = tpu.memref_slice %arg9[%add3A] : memref<100352xf32, #tpu.memory_space<vmem_shared>> -> memref<3136xf32, #tpu.memory_space<vmem_shared>>
      %dma_wait3A_88 = tpu.memref_slice %arg9[%add3A] : memref<100352xf32, #tpu.memory_space<vmem_shared>> -> memref<3136xf32, #tpu.memory_space<vmem_shared>>
      tpu.wait_dma2 semaphore(%arg28 : memref<!tpu.dma_semaphore, #tpu.memory_space<semaphore_mem>>) src(%arg22 : memref<3136xf32, #tpu.memory_space<vmem>>) dst(%dma_wait3A_88 : memref<3136xf32, #tpu.memory_space<vmem_shared>>)
      %dma_wait3A_89 = tpu.memref_slice %arg10[%add3A] : memref<100352xf32, #tpu.memory_space<vmem_shared>> -> memref<3136xf32, #tpu.memory_space<vmem_shared>>
      %dma_wait3A_90 = tpu.memref_slice %arg10[%add3A] : memref<100352xf32, #tpu.memory_space<vmem_shared>> -> memref<3136xf32, #tpu.memory_space<vmem_shared>>
      tpu.wait_dma2 semaphore(%arg29 : memref<!tpu.dma_semaphore, #tpu.memory_space<semaphore_mem>>) src(%arg23 : memref<3136xf32, #tpu.memory_space<vmem>>) dst(%dma_wait3A_90 : memref<3136xf32, #tpu.memory_space<vmem_shared>>)
      %dma_wait3A_91 = tpu.memref_slice %arg8[%add3A_74] : memref<802816xf32, #tpu.memory_space<hbm>> -> memref<3136xf32, #tpu.memory_space<hbm>>
      %dma_wait3A_92 = tpu.memref_slice %arg8[%add3A_74] : memref<802816xf32, #tpu.memory_space<hbm>> -> memref<3136xf32, #tpu.memory_space<hbm>>
      tpu.wait_dma2 semaphore(%arg30 : memref<!tpu.dma_semaphore, #tpu.memory_space<semaphore_mem>>) src(%arg22 : memref<3136xf32, #tpu.memory_space<vmem>>) dst(%dma_wait3A_92 : memref<3136xf32, #tpu.memory_space<hbm>>)
      %dma_wait3A_93 = tpu.memref_slice %arg8[%add3A_78] : memref<802816xf32, #tpu.memory_space<hbm>> -> memref<3136xf32, #tpu.memory_space<hbm>>
      %dma_wait3A_94 = tpu.memref_slice %arg8[%add3A_78] : memref<802816xf32, #tpu.memory_space<hbm>> -> memref<3136xf32, #tpu.memory_space<hbm>>
      tpu.wait_dma2 semaphore(%arg31 : memref<!tpu.dma_semaphore, #tpu.memory_space<semaphore_mem>>) src(%arg23 : memref<3136xf32, #tpu.memory_space<vmem>>) dst(%dma_wait3A_94 : memref<3136xf32, #tpu.memory_space<hbm>>)
    }
    %scan3A_19 = arith.constant 2 : i32
    %barrier3A_20 = arith.constant 0 : index
    tpu.barrier barrier_id(%barrier3A_20)
    %eq3A_21 = arith.constant 0 : i32
    %eq3A_22 = arith.cmpi eq, %arg0, %eq3A_21 : i32
    %convert_element_type3A_23 = arith.extui %eq3A_22 : i1 to i32
    %cond3A_24 = arith.constant 0 : i32
    %cond3A_25 = arith.cmpi ne, %convert_element_type3A_23, %cond3A_24 : i32
    scf.if %cond3A_25 {
      %scan3A_39 = arith.constant 0 : i32
      %scan3A_40 = arith.constant 0 : i32
      %scan3A_41 = arith.constant 20 : i32
      %scan3A_42 = arith.addi %scan3A_40, %scan3A_41 : i32
      %scan3A_43 = arith.constant 1 : i32
      scf.for %scan3A_45 = %scan3A_40 to %scan3A_42 step %scan3A_43  : i32 {
        %mul3A_46 = arith.constant 200000 : i32
        %mul3A_47 = arith.muli %arg1, %mul3A_46 : i32
        %mul3A_48 = arith.constant 10000 : i32
        %mul3A_49 = arith.muli %scan3A_45, %mul3A_48 : i32
        %add3A = arith.addi %mul3A_47, %mul3A_49 : i32
        %dma_start3A = tpu.memref_slice %arg4[%add3A] : memref<6400000xi32, #tpu.memory_space<hbm>> -> memref<10000xi32, #tpu.memory_space<hbm>>
        %dma_start3A_50 = tpu.memref_slice %arg4[%add3A] : memref<6400000xi32, #tpu.memory_space<hbm>> -> memref<10000xi32, #tpu.memory_space<hbm>>
        tpu.enqueue_dma source(%dma_start3A_50 : memref<10000xi32, #tpu.memory_space<hbm>>) target(%arg14 : memref<10000xi32, #tpu.memory_space<vmem>>) target_semaphore(%arg26 : memref<!tpu.dma_semaphore, #tpu.memory_space<semaphore_mem>>)
        %add3A_51 = arith.constant 3200000 : i32
        %add3A_52 = arith.addi %add3A_51, %add3A : i32
        %dma_start3A_53 = tpu.memref_slice %arg4[%add3A_52] : memref<6400000xi32, #tpu.memory_space<hbm>> -> memref<10000xi32, #tpu.memory_space<hbm>>
        %dma_start3A_54 = tpu.memref_slice %arg4[%add3A_52] : memref<6400000xi32, #tpu.memory_space<hbm>> -> memref<10000xi32, #tpu.memory_space<hbm>>
        tpu.enqueue_dma source(%dma_start3A_54 : memref<10000xi32, #tpu.memory_space<hbm>>) target(%arg15 : memref<10000xi32, #tpu.memory_space<vmem>>) target_semaphore(%arg27 : memref<!tpu.dma_semaphore, #tpu.memory_space<semaphore_mem>>)
        %dma_wait3A = tpu.memref_slice %arg4[%add3A] : memref<6400000xi32, #tpu.memory_space<hbm>> -> memref<10000xi32, #tpu.memory_space<hbm>>
        %dma_wait3A_55 = tpu.memref_slice %arg4[%add3A] : memref<6400000xi32, #tpu.memory_space<hbm>> -> memref<10000xi32, #tpu.memory_space<hbm>>
        tpu.wait_dma2 semaphore(%arg26 : memref<!tpu.dma_semaphore, #tpu.memory_space<semaphore_mem>>) src(%dma_wait3A_55 : memref<10000xi32, #tpu.memory_space<hbm>>) dst(%arg14 : memref<10000xi32, #tpu.memory_space<vmem>>)
        %dma_start3A_56 = arith.constant 0 : i32
        %dma_start3A_57 = tpu.memref_slice %arg9[%dma_start3A_56] : memref<100352xf32, #tpu.memory_space<vmem_shared>> -> memref<100352xf32, #tpu.memory_space<vmem_shared>>
        tpu.enqueue_indirect_dma source(%dma_start3A_57 : memref<100352xf32, #tpu.memory_space<vmem_shared>>) target(%arg16 : memref<10000xf32, #tpu.memory_space<vmem>>) offsets(%arg14 : memref<10000xi32, #tpu.memory_space<vmem>>) semaphore(%arg28 : memref<!tpu.dma_semaphore, #tpu.memory_space<semaphore_mem>>)
        %dma_start3A_58 = arith.constant 0 : i32
        %dma_start3A_59 = tpu.memref_slice %arg10[%dma_start3A_58] : memref<100352xf32, #tpu.memory_space<vmem_shared>> -> memref<100352xf32, #tpu.memory_space<vmem_shared>>
        tpu.enqueue_indirect_dma source(%dma_start3A_59 : memref<100352xf32, #tpu.memory_space<vmem_shared>>) target(%arg17 : memref<10000xf32, #tpu.memory_space<vmem>>) offsets(%arg14 : memref<10000xi32, #tpu.memory_space<vmem>>) semaphore(%arg29 : memref<!tpu.dma_semaphore, #tpu.memory_space<semaphore_mem>>)
        %dma_wait3A_60 = tpu.memref_slice %arg4[%add3A_52] : memref<6400000xi32, #tpu.memory_space<hbm>> -> memref<10000xi32, #tpu.memory_space<hbm>>
        %dma_wait3A_61 = tpu.memref_slice %arg4[%add3A_52] : memref<6400000xi32, #tpu.memory_space<hbm>> -> memref<10000xi32, #tpu.memory_space<hbm>>
        tpu.wait_dma2 semaphore(%arg27 : memref<!tpu.dma_semaphore, #tpu.memory_space<semaphore_mem>>) src(%dma_wait3A_61 : memref<10000xi32, #tpu.memory_space<hbm>>) dst(%arg15 : memref<10000xi32, #tpu.memory_space<vmem>>)
        %dma_wait3A_62 = arith.constant 0 : i32
        %dma_wait3A_63 = tpu.memref_slice %arg9[%dma_wait3A_62] : memref<100352xf32, #tpu.memory_space<vmem_shared>> -> memref<100352xf32, #tpu.memory_space<vmem_shared>>
        tpu.wait_indirect_dma semaphore(%arg28 : memref<!tpu.dma_semaphore, #tpu.memory_space<semaphore_mem>>) src(%dma_wait3A_63 : memref<100352xf32, #tpu.memory_space<vmem_shared>>) dst(%arg16 : memref<10000xf32, #tpu.memory_space<vmem>>)
        %dma_start3A_64 = arith.constant 0 : i32
        %dma_start3A_65 = tpu.memref_slice %arg11[%dma_start3A_64] : memref<100352xf32, #tpu.memory_space<vmem_shared>> -> memref<100352xf32, #tpu.memory_space<vmem_shared>>
        tpu.enqueue_indirect_dma source(%arg16 : memref<10000xf32, #tpu.memory_space<vmem>>) target(%dma_start3A_65 : memref<100352xf32, #tpu.memory_space<vmem_shared>>) offsets(%arg15 : memref<10000xi32, #tpu.memory_space<vmem>>) semaphore(%arg30 : memref<!tpu.dma_semaphore, #tpu.memory_space<semaphore_mem>>) {add = true}
        %dma_wait3A_66 = arith.constant 0 : i32
        %dma_wait3A_67 = tpu.memref_slice %arg10[%dma_wait3A_66] : memref<100352xf32, #tpu.memory_space<vmem_shared>> -> memref<100352xf32, #tpu.memory_space<vmem_shared>>
        tpu.wait_indirect_dma semaphore(%arg29 : memref<!tpu.dma_semaphore, #tpu.memory_space<semaphore_mem>>) src(%dma_wait3A_67 : memref<100352xf32, #tpu.memory_space<vmem_shared>>) dst(%arg17 : memref<10000xf32, #tpu.memory_space<vmem>>)
        %dma_start3A_68 = arith.constant 0 : i32
        %dma_start3A_69 = tpu.memref_slice %arg12[%dma_start3A_68] : memref<100352xf32, #tpu.memory_space<vmem_shared>> -> memref<100352xf32, #tpu.memory_space<vmem_shared>>
        tpu.enqueue_indirect_dma source(%arg17 : memref<10000xf32, #tpu.memory_space<vmem>>) target(%dma_start3A_69 : memref<100352xf32, #tpu.memory_space<vmem_shared>>) offsets(%arg15 : memref<10000xi32, #tpu.memory_space<vmem>>) semaphore(%arg31 : memref<!tpu.dma_semaphore, #tpu.memory_space<semaphore_mem>>) {add = true}
        %dma_wait3A_70 = arith.constant 0 : i32
        %dma_wait3A_71 = tpu.memref_slice %arg11[%dma_wait3A_70] : memref<100352xf32, #tpu.memory_space<vmem_shared>> -> memref<100352xf32, #tpu.memory_space<vmem_shared>>
        tpu.wait_indirect_dma semaphore(%arg30 : memref<!tpu.dma_semaphore, #tpu.memory_space<semaphore_mem>>) src(%arg16 : memref<10000xf32, #tpu.memory_space<vmem>>) dst(%dma_wait3A_71 : memref<100352xf32, #tpu.memory_space<vmem_shared>>)
        %dma_wait3A_72 = arith.constant 0 : i32
        %dma_wait3A_73 = tpu.memref_slice %arg12[%dma_wait3A_72] : memref<100352xf32, #tpu.memory_space<vmem_shared>> -> memref<100352xf32, #tpu.memory_space<vmem_shared>>
        tpu.wait_indirect_dma semaphore(%arg31 : memref<!tpu.dma_semaphore, #tpu.memory_space<semaphore_mem>>) src(%arg17 : memref<10000xf32, #tpu.memory_space<vmem>>) dst(%dma_wait3A_73 : memref<100352xf32, #tpu.memory_space<vmem_shared>>)
      }
      %scan3A_44 = arith.constant 20 : i32
    } else {
    }
    %eq3A_26 = arith.constant 1 : i32
    %eq3A_27 = arith.cmpi eq, %arg0, %eq3A_26 : i32
    %convert_element_type3A_28 = arith.extui %eq3A_27 : i1 to i32
    %cond3A_29 = arith.constant 0 : i32
    %cond3A_30 = arith.cmpi ne, %convert_element_type3A_28, %cond3A_29 : i32
    scf.if %cond3A_30 {
      %scan3A_39 = arith.constant 0 : i32
      %scan3A_40 = arith.constant 0 : i32
      %scan3A_41 = arith.constant 20 : i32
      %scan3A_42 = arith.addi %scan3A_40, %scan3A_41 : i32
      %scan3A_43 = arith.constant 1 : i32
      scf.for %scan3A_45 = %scan3A_40 to %scan3A_42 step %scan3A_43  : i32 {
        %mul3A_46 = arith.constant 200000 : i32
        %mul3A_47 = arith.muli %arg1, %mul3A_46 : i32
        %mul3A_48 = arith.constant 10000 : i32
        %mul3A_49 = arith.muli %scan3A_45, %mul3A_48 : i32
        %add3A = arith.addi %mul3A_47, %mul3A_49 : i32
        %dma_start3A = tpu.memref_slice %arg5[%add3A] : memref<6400000xi32, #tpu.memory_space<hbm>> -> memref<10000xi32, #tpu.memory_space<hbm>>
        %dma_start3A_50 = tpu.memref_slice %arg5[%add3A] : memref<6400000xi32, #tpu.memory_space<hbm>> -> memref<10000xi32, #tpu.memory_space<hbm>>
        tpu.enqueue_dma source(%dma_start3A_50 : memref<10000xi32, #tpu.memory_space<hbm>>) target(%arg14 : memref<10000xi32, #tpu.memory_space<vmem>>) target_semaphore(%arg26 : memref<!tpu.dma_semaphore, #tpu.memory_space<semaphore_mem>>)
        %add3A_51 = arith.constant 3200000 : i32
        %add3A_52 = arith.addi %add3A_51, %add3A : i32
        %dma_start3A_53 = tpu.memref_slice %arg5[%add3A_52] : memref<6400000xi32, #tpu.memory_space<hbm>> -> memref<10000xi32, #tpu.memory_space<hbm>>
        %dma_start3A_54 = tpu.memref_slice %arg5[%add3A_52] : memref<6400000xi32, #tpu.memory_space<hbm>> -> memref<10000xi32, #tpu.memory_space<hbm>>
        tpu.enqueue_dma source(%dma_start3A_54 : memref<10000xi32, #tpu.memory_space<hbm>>) target(%arg15 : memref<10000xi32, #tpu.memory_space<vmem>>) target_semaphore(%arg27 : memref<!tpu.dma_semaphore, #tpu.memory_space<semaphore_mem>>)
        %dma_wait3A = tpu.memref_slice %arg5[%add3A] : memref<6400000xi32, #tpu.memory_space<hbm>> -> memref<10000xi32, #tpu.memory_space<hbm>>
        %dma_wait3A_55 = tpu.memref_slice %arg5[%add3A] : memref<6400000xi32, #tpu.memory_space<hbm>> -> memref<10000xi32, #tpu.memory_space<hbm>>
        tpu.wait_dma2 semaphore(%arg26 : memref<!tpu.dma_semaphore, #tpu.memory_space<semaphore_mem>>) src(%dma_wait3A_55 : memref<10000xi32, #tpu.memory_space<hbm>>) dst(%arg14 : memref<10000xi32, #tpu.memory_space<vmem>>)
        %dma_start3A_56 = arith.constant 0 : i32
        %dma_start3A_57 = tpu.memref_slice %arg9[%dma_start3A_56] : memref<100352xf32, #tpu.memory_space<vmem_shared>> -> memref<100352xf32, #tpu.memory_space<vmem_shared>>
        tpu.enqueue_indirect_dma source(%dma_start3A_57 : memref<100352xf32, #tpu.memory_space<vmem_shared>>) target(%arg16 : memref<10000xf32, #tpu.memory_space<vmem>>) offsets(%arg14 : memref<10000xi32, #tpu.memory_space<vmem>>) semaphore(%arg28 : memref<!tpu.dma_semaphore, #tpu.memory_space<semaphore_mem>>)
        %dma_start3A_58 = arith.constant 0 : i32
        %dma_start3A_59 = tpu.memref_slice %arg10[%dma_start3A_58] : memref<100352xf32, #tpu.memory_space<vmem_shared>> -> memref<100352xf32, #tpu.memory_space<vmem_shared>>
        tpu.enqueue_indirect_dma source(%dma_start3A_59 : memref<100352xf32, #tpu.memory_space<vmem_shared>>) target(%arg17 : memref<10000xf32, #tpu.memory_space<vmem>>) offsets(%arg14 : memref<10000xi32, #tpu.memory_space<vmem>>) semaphore(%arg29 : memref<!tpu.dma_semaphore, #tpu.memory_space<semaphore_mem>>)
        %dma_wait3A_60 = tpu.memref_slice %arg5[%add3A_52] : memref<6400000xi32, #tpu.memory_space<hbm>> -> memref<10000xi32, #tpu.memory_space<hbm>>
        %dma_wait3A_61 = tpu.memref_slice %arg5[%add3A_52] : memref<6400000xi32, #tpu.memory_space<hbm>> -> memref<10000xi32, #tpu.memory_space<hbm>>
        tpu.wait_dma2 semaphore(%arg27 : memref<!tpu.dma_semaphore, #tpu.memory_space<semaphore_mem>>) src(%dma_wait3A_61 : memref<10000xi32, #tpu.memory_space<hbm>>) dst(%arg15 : memref<10000xi32, #tpu.memory_space<vmem>>)
        %dma_wait3A_62 = arith.constant 0 : i32
        %dma_wait3A_63 = tpu.memref_slice %arg9[%dma_wait3A_62] : memref<100352xf32, #tpu.memory_space<vmem_shared>> -> memref<100352xf32, #tpu.memory_space<vmem_shared>>
        tpu.wait_indirect_dma semaphore(%arg28 : memref<!tpu.dma_semaphore, #tpu.memory_space<semaphore_mem>>) src(%dma_wait3A_63 : memref<100352xf32, #tpu.memory_space<vmem_shared>>) dst(%arg16 : memref<10000xf32, #tpu.memory_space<vmem>>)
        %dma_start3A_64 = arith.constant 0 : i32
        %dma_start3A_65 = tpu.memref_slice %arg11[%dma_start3A_64] : memref<100352xf32, #tpu.memory_space<vmem_shared>> -> memref<100352xf32, #tpu.memory_space<vmem_shared>>
        tpu.enqueue_indirect_dma source(%arg16 : memref<10000xf32, #tpu.memory_space<vmem>>) target(%dma_start3A_65 : memref<100352xf32, #tpu.memory_space<vmem_shared>>) offsets(%arg15 : memref<10000xi32, #tpu.memory_space<vmem>>) semaphore(%arg30 : memref<!tpu.dma_semaphore, #tpu.memory_space<semaphore_mem>>) {add = true}
        %dma_wait3A_66 = arith.constant 0 : i32
        %dma_wait3A_67 = tpu.memref_slice %arg10[%dma_wait3A_66] : memref<100352xf32, #tpu.memory_space<vmem_shared>> -> memref<100352xf32, #tpu.memory_space<vmem_shared>>
        tpu.wait_indirect_dma semaphore(%arg29 : memref<!tpu.dma_semaphore, #tpu.memory_space<semaphore_mem>>) src(%dma_wait3A_67 : memref<100352xf32, #tpu.memory_space<vmem_shared>>) dst(%arg17 : memref<10000xf32, #tpu.memory_space<vmem>>)
        %dma_start3A_68 = arith.constant 0 : i32
        %dma_start3A_69 = tpu.memref_slice %arg12[%dma_start3A_68] : memref<100352xf32, #tpu.memory_space<vmem_shared>> -> memref<100352xf32, #tpu.memory_space<vmem_shared>>
        tpu.enqueue_indirect_dma source(%arg17 : memref<10000xf32, #tpu.memory_space<vmem>>) target(%dma_start3A_69 : memref<100352xf32, #tpu.memory_space<vmem_shared>>) offsets(%arg15 : memref<10000xi32, #tpu.memory_space<vmem>>) semaphore(%arg31 : memref<!tpu.dma_semaphore, #tpu.memory_space<semaphore_mem>>) {add = true}
        %dma_wait3A_70 = arith.constant 0 : i32
        %dma_wait3A_71 = tpu.memref_slice %arg11[%dma_wait3A_70] : memref<100352xf32, #tpu.memory_space<vmem_shared>> -> memref<100352xf32, #tpu.memory_space<vmem_shared>>
        tpu.wait_indirect_dma semaphore(%arg30 : memref<!tpu.dma_semaphore, #tpu.memory_space<semaphore_mem>>) src(%arg16 : memref<10000xf32, #tpu.memory_space<vmem>>) dst(%dma_wait3A_71 : memref<100352xf32, #tpu.memory_space<vmem_shared>>)
        %dma_wait3A_72 = arith.constant 0 : i32
        %dma_wait3A_73 = tpu.memref_slice %arg12[%dma_wait3A_72] : memref<100352xf32, #tpu.memory_space<vmem_shared>> -> memref<100352xf32, #tpu.memory_space<vmem_shared>>
        tpu.wait_indirect_dma semaphore(%arg31 : memref<!tpu.dma_semaphore, #tpu.memory_space<semaphore_mem>>) src(%arg17 : memref<10000xf32, #tpu.memory_space<vmem>>) dst(%dma_wait3A_73 : memref<100352xf32, #tpu.memory_space<vmem_shared>>)
      }
      %scan3A_44 = arith.constant 20 : i32
    } else {
    }
    %barrier3A_31 = arith.constant 0 : index
    tpu.barrier barrier_id(%barrier3A_31)
    %scan3A_32 = arith.constant 0 : i32
    %scan3A_33 = arith.constant 0 : i32
    %scan3A_34 = arith.constant 2 : i32
    %scan3A_35 = arith.addi %scan3A_33, %scan3A_34 : i32
    %scan3A_36 = arith.constant 1 : i32
    scf.for %scan3A_39 = %scan3A_33 to %scan3A_35 step %scan3A_36  : i32 {
      %mul3A_40 = arith.constant 3136 : i32
      %mul3A_41 = arith.muli %scan3A_39, %mul3A_40 : i32
      %add3A = arith.addi %mul3A_0, %mul3A_41 : i32
      %dma_start3A = tpu.memref_slice %arg11[%add3A] : memref<100352xf32, #tpu.memory_space<vmem_shared>> -> memref<3136xf32, #tpu.memory_space<vmem_shared>>
      %dma_start3A_42 = tpu.memref_slice %arg11[%add3A] : memref<100352xf32, #tpu.memory_space<vmem_shared>> -> memref<3136xf32, #tpu.memory_space<vmem_shared>>
      tpu.enqueue_dma source(%dma_start3A_42 : memref<3136xf32, #tpu.memory_space<vmem_shared>>) target(%arg19 : memref<3136xf32, #tpu.memory_space<vmem>>) target_semaphore(%arg26 : memref<!tpu.dma_semaphore, #tpu.memory_space<semaphore_mem>>)
      %dma_start3A_43 = tpu.memref_slice %arg12[%add3A] : memref<100352xf32, #tpu.memory_space<vmem_shared>> -> memref<3136xf32, #tpu.memory_space<vmem_shared>>
      %dma_start3A_44 = tpu.memref_slice %arg12[%add3A] : memref<100352xf32, #tpu.memory_space<vmem_shared>> -> memref<3136xf32, #tpu.memory_space<vmem_shared>>
      tpu.enqueue_dma source(%dma_start3A_44 : memref<3136xf32, #tpu.memory_space<vmem_shared>>) target(%arg20 : memref<3136xf32, #tpu.memory_space<vmem>>) target_semaphore(%arg27 : memref<!tpu.dma_semaphore, #tpu.memory_space<semaphore_mem>>)
      %dma_start3A_45 = tpu.memref_slice %arg13[%add3A] : memref<100352xf32, #tpu.memory_space<vmem_shared>> -> memref<3136xf32, #tpu.memory_space<vmem_shared>>
      %dma_start3A_46 = tpu.memref_slice %arg13[%add3A] : memref<100352xf32, #tpu.memory_space<vmem_shared>> -> memref<3136xf32, #tpu.memory_space<vmem_shared>>
      tpu.enqueue_dma source(%dma_start3A_46 : memref<3136xf32, #tpu.memory_space<vmem_shared>>) target(%arg21 : memref<3136xf32, #tpu.memory_space<vmem>>) target_semaphore(%arg32 : memref<!tpu.dma_semaphore, #tpu.memory_space<semaphore_mem>>)
      %dma_wait3A = tpu.memref_slice %arg11[%add3A] : memref<100352xf32, #tpu.memory_space<vmem_shared>> -> memref<3136xf32, #tpu.memory_space<vmem_shared>>
      %dma_wait3A_47 = tpu.memref_slice %arg11[%add3A] : memref<100352xf32, #tpu.memory_space<vmem_shared>> -> memref<3136xf32, #tpu.memory_space<vmem_shared>>
      tpu.wait_dma2 semaphore(%arg26 : memref<!tpu.dma_semaphore, #tpu.memory_space<semaphore_mem>>) src(%dma_wait3A_47 : memref<3136xf32, #tpu.memory_space<vmem_shared>>) dst(%arg19 : memref<3136xf32, #tpu.memory_space<vmem>>)
      %dma_wait3A_48 = tpu.memref_slice %arg12[%add3A] : memref<100352xf32, #tpu.memory_space<vmem_shared>> -> memref<3136xf32, #tpu.memory_space<vmem_shared>>
      %dma_wait3A_49 = tpu.memref_slice %arg12[%add3A] : memref<100352xf32, #tpu.memory_space<vmem_shared>> -> memref<3136xf32, #tpu.memory_space<vmem_shared>>
      tpu.wait_dma2 semaphore(%arg27 : memref<!tpu.dma_semaphore, #tpu.memory_space<semaphore_mem>>) src(%dma_wait3A_49 : memref<3136xf32, #tpu.memory_space<vmem_shared>>) dst(%arg20 : memref<3136xf32, #tpu.memory_space<vmem>>)
      %dma_wait3A_50 = tpu.memref_slice %arg13[%add3A] : memref<100352xf32, #tpu.memory_space<vmem_shared>> -> memref<3136xf32, #tpu.memory_space<vmem_shared>>
      %dma_wait3A_51 = tpu.memref_slice %arg13[%add3A] : memref<100352xf32, #tpu.memory_space<vmem_shared>> -> memref<3136xf32, #tpu.memory_space<vmem_shared>>
      tpu.wait_dma2 semaphore(%arg32 : memref<!tpu.dma_semaphore, #tpu.memory_space<semaphore_mem>>) src(%dma_wait3A_51 : memref<3136xf32, #tpu.memory_space<vmem_shared>>) dst(%arg21 : memref<3136xf32, #tpu.memory_space<vmem>>)
      %scan3A_52 = arith.constant 0 : i32
      %scan3A_53 = arith.constant 0 : i32
      %scan3A_54 = arith.constant 196 : i32
      %scan3A_55 = arith.addi %scan3A_53, %scan3A_54 : i32
      %scan3A_56 = arith.constant 1 : i32
      scf.for %scan3A_75 = %scan3A_53 to %scan3A_55 step %scan3A_56  : i32 {
        %mul3A_76 = arith.constant 16 : i32
        %mul3A_77 = arith.muli %scan3A_75, %mul3A_76 : i32
        %get3A = arith.index_cast %mul3A_77 : i32 to index
        %get3A_78 = tpu.vector_load %arg21[%get3A] {strides = array<i32>} : memref<3136xf32, #tpu.memory_space<vmem>>, vector<16xf32>,
        %get3A_79 = vector.shape_cast %get3A_78 : vector<16xf32> to vector<16xf32>
        %get3A_80 = arith.index_cast %mul3A_77 : i32 to index
        %get3A_81 = tpu.vector_load %arg19[%get3A_80] {strides = array<i32>} : memref<3136xf32, #tpu.memory_space<vmem>>, vector<16xf32>,
        %get3A_82 = vector.shape_cast %get3A_81 : vector<16xf32> to vector<16xf32>
        %mul3A_83 = arith.mulf %get3A_82, %get3A_79 : vector<16xf32>
        %swap3A = arith.index_cast %mul3A_77 : i32 to index
        %swap3A_84 = tpu.vector_load %arg22[%swap3A] {strides = array<i32>} : memref<3136xf32, #tpu.memory_space<vmem>>, vector<16xf32>,
        %swap3A_85 = vector.shape_cast %swap3A_84 : vector<16xf32> to vector<16xf32>
        %swap3A_86 = vector.shape_cast %mul3A_83 : vector<16xf32> to vector<16xf32>
        tpu.vector_store %arg22[%swap3A], %swap3A_86 {strides = array<i32>} : memref<3136xf32, #tpu.memory_space<vmem>>, vector<16xf32>,
        %get3A_87 = arith.index_cast %mul3A_77 : i32 to index
        %get3A_88 = tpu.vector_load %arg20[%get3A_87] {strides = array<i32>} : memref<3136xf32, #tpu.memory_space<vmem>>, vector<16xf32>,
        %get3A_89 = vector.shape_cast %get3A_88 : vector<16xf32> to vector<16xf32>
        %mul3A_90 = arith.mulf %get3A_89, %get3A_79 : vector<16xf32>
        %swap3A_91 = arith.index_cast %mul3A_77 : i32 to index
        %swap3A_92 = tpu.vector_load %arg23[%swap3A_91] {strides = array<i32>} : memref<3136xf32, #tpu.memory_space<vmem>>, vector<16xf32>,
        %swap3A_93 = vector.shape_cast %swap3A_92 : vector<16xf32> to vector<16xf32>
        %swap3A_94 = vector.shape_cast %mul3A_90 : vector<16xf32> to vector<16xf32>
        tpu.vector_store %arg23[%swap3A_91], %swap3A_94 {strides = array<i32>} : memref<3136xf32, #tpu.memory_space<vmem>>, vector<16xf32>,
      }
      %scan3A_57 = arith.constant 196 : i32
      %mul3A_58 = arith.constant 4 : i32
      %mul3A_59 = arith.muli %arg0, %mul3A_58 : i32
      %add3A_60 = arith.constant 2 : i32
      %add3A_61 = arith.addi %mul3A_59, %add3A_60 : i32
      %mul3A_62 = arith.constant 100352 : i32
      %mul3A_63 = arith.muli %add3A_61, %mul3A_62 : i32
      %add3A_64 = arith.addi %mul3A_63, %add3A : i32
      %dma_start3A_65 = tpu.memref_slice %arg8[%add3A_64] : memref<802816xf32, #tpu.memory_space<hbm>> -> memref<3136xf32, #tpu.memory_space<hbm>>
      %dma_start3A_66 = tpu.memref_slice %arg8[%add3A_64] : memref<802816xf32, #tpu.memory_space<hbm>> -> memref<3136xf32, #tpu.memory_space<hbm>>
      tpu.enqueue_dma source(%arg22 : memref<3136xf32, #tpu.memory_space<vmem>>) target(%dma_start3A_66 : memref<3136xf32, #tpu.memory_space<hbm>>) target_semaphore(%arg30 : memref<!tpu.dma_semaphore, #tpu.memory_space<semaphore_mem>>)
      %add3A_67 = arith.constant 100352 : i32
      %add3A_68 = arith.addi %add3A_64, %add3A_67 : i32
      %dma_start3A_69 = tpu.memref_slice %arg8[%add3A_68] : memref<802816xf32, #tpu.memory_space<hbm>> -> memref<3136xf32, #tpu.memory_space<hbm>>
      %dma_start3A_70 = tpu.memref_slice %arg8[%add3A_68] : memref<802816xf32, #tpu.memory_space<hbm>> -> memref<3136xf32, #tpu.memory_space<hbm>>
      tpu.enqueue_dma source(%arg23 : memref<3136xf32, #tpu.memory_space<vmem>>) target(%dma_start3A_70 : memref<3136xf32, #tpu.memory_space<hbm>>) target_semaphore(%arg31 : memref<!tpu.dma_semaphore, #tpu.memory_space<semaphore_mem>>)
      %dma_wait3A_71 = tpu.memref_slice %arg8[%add3A_64] : memref<802816xf32, #tpu.memory_space<hbm>> -> memref<3136xf32, #tpu.memory_space<hbm>>
      %dma_wait3A_72 = tpu.memref_slice %arg8[%add3A_64] : memref<802816xf32, #tpu.memory_space<hbm>> -> memref<3136xf32, #tpu.memory_space<hbm>>
      tpu.wait_dma2 semaphore(%arg30 : memref<!tpu.dma_semaphore, #tpu.memory_space<semaphore_mem>>) src(%arg22 : memref<3136xf32, #tpu.memory_space<vmem>>) dst(%dma_wait3A_72 : memref<3136xf32, #tpu.memory_space<hbm>>)
      %dma_wait3A_73 = tpu.memref_slice %arg8[%add3A_68] : memref<802816xf32, #tpu.memory_space<hbm>> -> memref<3136xf32, #tpu.memory_space<hbm>>
      %dma_wait3A_74 = tpu.memref_slice %arg8[%add3A_68] : memref<802816xf32, #tpu.memory_space<hbm>> -> memref<3136xf32, #tpu.memory_space<hbm>>
      tpu.wait_dma2 semaphore(%arg31 : memref<!tpu.dma_semaphore, #tpu.memory_space<semaphore_mem>>) src(%arg23 : memref<3136xf32, #tpu.memory_space<vmem>>) dst(%dma_wait3A_74 : memref<3136xf32, #tpu.memory_space<hbm>>)
    }
    %scan3A_37 = arith.constant 2 : i32
    %barrier3A_38 = arith.constant 0 : index
    tpu.barrier barrier_id(%barrier3A_38)
    return
  }
}

</mosaic_0001>

<sc_bundles>
// kernel: kernel.3.cloned.1.call-start
scs
__scs_entry_jumppad:
0x0: {  	(pc) =	sbr.rel $0x88, $3  }
0x1: {  	(tag) =	ssettag $0x0;
	lr =	simm.s32 $0x1  }
0x2: {  	[smem:$0x3F9E] =	sst lr;
	_ =	strace $0xD0000000  }
0x3: {  	_ = 	snop  }
0x4: {  	_ = 	snop  }
0x5: {  	_ = 	snop  }
0x6: {  	_ = 	snop  }
0x7: {  	_ = 	snop  }
__scs_overlays_trampoline_lowered:
0x8: {  	[smem:$0x3FAD] =	sst s0  }
0x9: {  	[smem:$0x3FAE] =	sst s1  }
0xa: {  	[smem:$0x3FAF] =	sst s2  }
0xb: {  	[smem:$0x3FB0] =	sst s3  }
0xc: {  	[smem:$0x3FB1] =	sst s4  }
0xd: {  	[smem:$0x3FB2] =	sst s5  }
0xe: {  	[smem:$0x3FB3] =	sst s6  }
0xf: {  	[smem:$0x3FB4] =	sst s7  }
0x10: {  	[smem:$0x3FB5] =	sst s8  }
0x11: {  	[smem:$0x3FB6] =	sst s9;
	s0 =	simm.s32 @!p0 $0x0  }
0x12: {  	s1 =	sld [smem:$0x3F9C];
	s0 =	simm.s32 @p0 $0x1  }
0x13: {  	[smem:$0x3FB7] =	sst s0;
	s0 =	simm.s32 @!p1 $0x0  }
0x14: {  	s2 =	sld [smem:$0x3F9B];
	s0 =	simm.s32 @p1 $0x1  }
0x15: {  	[smem:$0x3FB8] =	sst s0;
	s0 =	simm.s32 @!p2 $0x0  }
0x16: {  	s3 =	sld [smem:$0x3FDB];
	s0 =	simm.s32 @p2 $0x1  }
0x17: {  	s4 =	simm.s32 $0x1BF5;
	[smem:$0x3FBA] =	sst s0  }
0x18: {  	s0 =	sld [smem:$0x3F9D];
	_ =	swait.ge [sflag:s4], $0x0  }
0x19: {  	s7 =	sld [smem:$0x3F9E]  }
0x1a: {  	s8 =	sadd.s32 $0xFFFFE003, lr  }
0x1b: {  	s9 =	sadd.s32 $0xFFFFFEF7, lr;
	s5 =	simm.s32 $0xFFFFFFFF;
	p2 =	slt.u32 s8, $0xFFFFF086  }
0x1c: {  	p1 =	slt.u32 s9, $0xF7A;
	s5 =	simm.s32 @!p2 $0x0  }
0x1d: {  	s5 =	simm.s32 @p1 $0x1;
	p0 =	seq.s32 s7, s2  }
0x1e: {  	s7 =	smul.u32 @!p0 $0xF7A, s2;
	p2 =	seq.s32 @!p0 s5, $0x0  }
0x1f: {  	s9 =	smul.u32 $0xF7A, s1;
	s8 =	simm.s32 @!p0 $0x1BF5;
	p2 =	por !p2, p0  }
0x20: {  	[sflag:s8] =	ssyncset.s32 @!p0 $0xFFFFF086;
	s6 =	sadd.s32 @!p0 s3, s7;
	s7 =	simm.s32 @!p0 $0x108  }
0x21: {  	s3 =	sadd.s32 s3, s9;
	s6 =	sadd.s32 @!p0 $0x88, s6;
	s7 =	simm.s32 @p2 $0x1082  }
0x22: {  	[simem:s7], [sflag:s8] =	dma.local @!p0 [hbm:s6], $0xF7A  }
0x23: {  	s9 =	sor.u32 $0xD0000000, s2;
	s6 =	simm.s32 $0x108;
	_ =	swait.ge @!p0 [sflag:s8], $0x0  }
0x24: {  	s3 =	sadd.s32 $0x88, s3;
	s6 =	simm.s32 @!p1 $0x1082;
	[sflag:s4] =	ssyncset.s32 $0xFFFFF086  }
0x25: {  	[simem:s6], [sflag:s4] =	dma.local [hbm:s3], $0xF7A  }
0x26: {  	[smem:$0x3F9E] =	sst s1;
	(tag) =	ssettag s2;
	_ =	strace s9  }
0x27: {  	s1 =	sld [smem:$0x3FAE]  }
0x28: {  	s2 =	sld [smem:$0x3FAF]  }
0x29: {  	s4 =	sld [smem:$0x3FB1]  }
0x2a: {  	p0 =	seq.s32 s5, $0x0;
	s5 =	sld [smem:$0x3FB2]  }
0x2b: {  	s6 =	sld [smem:$0x3FB3]  }
0x2c: {  	s7 =	sld [smem:$0x3FB4]  }
0x2d: {  	s3 =	simm.s32 $0x108;
	s8 =	sld [smem:$0x3FB5]  }
0x2e: {  	s3 =	simm.s32 @!p0 $0x1082;
	s9 =	sld [smem:$0x3FB6]  }
0x2f: {  	lr =	sadd.s32 s0, s3;
	s0 =	sld [smem:$0x3FAD]  }
0x30: {  	s3 =	sld [smem:$0x3FB0]  }
0x31: {  	[smem:$0x3FB9] =	sst s10  }
0x32: {  	s10 =	sld [smem:$0x3FB7];
	_ =	sdelay $0x3  }
0x33: {  	p0 =	seq.s32 s10, $0x1;
	s10 =	sld [smem:$0x3FB9];
	_ =	sdelay $0x3  }
0x34: {  	[smem:$0x3FB9] =	sst s10  }
0x35: {  	s10 =	sld [smem:$0x3FB8];
	_ =	sdelay $0x3  }
0x36: {  	p1 =	seq.s32 s10, $0x1;
	s10 =	sld [smem:$0x3FB9];
	_ =	sdelay $0x3  }
0x37: {  	[smem:$0x3FB9] =	sst s10  }
0x38: {  	s10 =	sld [smem:$0x3FBA]  }
0x39: {  	_ = 	snop;
	(pc) =	sbr.ind lr, $3  }
0x3a: {  	_ = 	snop  }
0x3b: {  	_ = 	snop  }
0x3c: {  	p2 =	seq.s32 s10, $0x1;
	s10 =	sld [smem:$0x3FB9]  }
0x3d: {  	_ =	shalt  }
0x3e: {  	_ =	shalt  }
0x3f: {  	_ =	shalt  }
0x40: {  	_ =	shalt  }
0x41: {  	_ =	shalt  }
0x42: {  	_ =	shalt  }
0x43: {  	_ =	shalt  }
0x44: {  	_ =	shalt  }
0x45: {  	_ =	shalt  }
0x46: {  	_ =	shalt  }
0x47: {  	_ =	shalt  }
0x48: {  	_ =	shalt  }
0x49: {  	_ =	shalt  }
0x4a: {  	_ =	shalt  }
0x4b: {  	_ =	shalt  }
0x4c: {  	_ =	shalt  }
0x4d: {  	_ =	shalt  }
0x4e: {  	_ =	shalt  }
0x4f: {  	_ =	shalt  }
0x50: {  	_ =	shalt  }
0x51: {  	_ =	shalt  }
0x52: {  	_ =	shalt  }
0x53: {  	_ =	shalt  }
0x54: {  	_ =	shalt  }
0x55: {  	_ =	shalt  }
0x56: {  	_ =	shalt  }
0x57: {  	_ =	shalt  }
0x58: {  	_ =	shalt  }
0x59: {  	_ =	shalt  }
0x5a: {  	_ =	shalt  }
0x5b: {  	_ =	shalt  }
0x5c: {  	_ =	shalt  }
0x5d: {  	_ =	shalt  }
0x5e: {  	_ =	shalt  }
0x5f: {  	_ =	shalt  }
0x60: {  	_ =	shalt  }
0x61: {  	_ =	shalt  }
0x62: {  	_ =	shalt  }
0x63: {  	_ =	shalt  }
0x64: {  	_ =	shalt  }
0x65: {  	_ =	shalt  }
0x66: {  	_ =	shalt  }
0x67: {  	_ =	shalt  }
0x68: {  	_ =	shalt  }
0x69: {  	_ =	shalt  }
0x6a: {  	_ =	shalt  }
0x6b: {  	_ =	shalt  }
0x6c: {  	_ =	shalt  }
0x6d: {  	_ =	shalt  }
0x6e: {  	_ =	shalt  }
0x6f: {  	_ =	shalt  }
0x70: {  	_ =	shalt  }
0x71: {  	_ =	shalt  }
0x72: {  	_ =	shalt  }
0x73: {  	_ =	shalt  }
0x74: {  	_ =	shalt  }
0x75: {  	_ =	shalt  }
0x76: {  	_ =	shalt  }
0x77: {  	_ =	shalt  }
0x78: {  	_ =	shalt  }
0x79: {  	_ =	shalt  }
0x7a: {  	_ =	shalt  }
0x7b: {  	_ =	shalt  }
0x7c: {  	_ =	shalt  }
0x7d: {  	_ =	shalt  }
0x7e: {  	_ =	shalt  }
0x7f: {  	_ =	shalt  }
0x80: {  	_ =	shalt  }
0x81: {  	_ =	shalt  }
0x82: {  	_ =	shalt  }
0x83: {  	_ =	shalt  }
0x84: {  	_ =	shalt  }
0x85: {  	_ =	shalt  }
0x86: {  	_ =	shalt  }
0x87: {  	_ =	shalt  }
.Lfunc_end0:
.L_simem_size_0:
called_computation_lowered:
.L_overlay_start_0:
0x88: {  	s2 =	sld [smem:$0x3FD9]  }
0x89: {  	s3 =	sld [smem:$0x3FFE];
	_ =	sdelay $0x1  }
0x8a: {  	s1 =	srdreg.scid  }
0x8b: {  	s0 =	sand.u32 $0x1, s1  }
0x8c: {  	s17 =	sshll.u32 s0, $0xA;
	s2 =	sadd.s32 s3, s2  }
0x8d: {  	s2 =	sadd.s32 s2, s17  }
0x8e: {  	[smem:$0x3FC5] =	sst s2  }
0x8f: {  	_ = 	snop  }
0x90: {  	s2 =	sld [smem:$0x3FD0];
	(tm) =	ssettm $0x1  }
0x91: {  	s18 =	sld [smem:$0x3FFB];
	_ =	sdelay $0x3  }
0x92: {  	_ =	strace s18  }
0x93: {  	s3 =	sld [smem:$0x3FFC];
	_ =	sdelay $0x3  }
0x94: {  	_ =	strace s3  }
0x95: {  	s3 =	sld [smem:$0x3FFD];
	_ =	sdelay $0x3  }
0x96: {  	_ =	strace s3  }
0x97: {  	_ =	strace $0x8FFFFFFF  }
0x98: {  	s19 =	sld [smem:$0x3FDB];
	_ =	sdelay $0x1  }
0x99: {  	s4 =	simm.s32 $_scs_section_size  }
0x9a: {  	s5 =	simm.s32 $_size__tile_overlayer_lowered;
	s6 =	simm.s32 $_tile_overlayer_lowered  }
0x9b: {  	s22 =	simm.s32 $0x1BFF;
	s21 =	sshll.u32 s6, $0x1;
	s3 =	sadd.s32 s4, s19  }
0x9c: {  	s7 =	simm.s32 $0x0;
	s20 =	sshll.u32 s5, $0x1;
	s5 =	sadd.s32 s21, s3  }
0x9d: {  	[timem:s7], [sflag:s22] =	dma.local [hbm:s5], s20  }
0x9e: {  	_ =	swait.ge [sflag:s22], s20  }
0x9f: {  	s4 =	ssub.s32 $0x0, s20;
	[sflag:s22] =	ssyncset.done $0x0  }
0xa0: {  	[sflag:s22] =	ssyncadd.s32 s4;
	_ =	sdelay $0x1  }
0xa1: {  	s23 =	simm.s32 $0x1B8B  }
0xa2: {  	_ =	swait.ge [sflag:s23], $0x1  }
0xa3: {  	[sflag:s23] =	ssyncset.done $0x0  }
0xa4: {  	s25 =	simm.s32 $0x1B8E;
	s24 =	sld [smem:$0x3FFE];
	[sflag:s23] =	ssyncadd.s32 $0xFFFFFFFF  }
0xa5: {  	s26 =	simm.s32 $execute0_lowered;
	[smem:$0x3FD2] =	sst s25  }
0xa6: {  	s5 =	sshll.u32 s26, $0x1;
	_ =	strace $0x80000046;
	[dreg:$0x1] =	wrdreg $0xFFFFFFFF  }
0xa7: {  	s28 =	simm.s32 $_size_execute0_lowered;
	s3 =	sadd.s32 s3, s5;
	[dreg:$0x0] =	wrdreg $0x0  }
0xa8: {  	s5 =	sshll.u32 s28, $0x1;
	[dreg:$0x2] =	wrdreg s3  }
0xa9: {  	[dreg:$0x3] =	wrdreg s5  }
0xaa: {  	[dreg:$0x4] =	wrdreg $0xC0  }
0xab: {  	_ =	task [dreg:s7], $0x5FFFF  }
0xac: {  	[dreg:$0x1] =	wrdreg $0xFFFFFFFF  }
0xad: {  	[dreg:$0x0] =	wrdreg $0x60  }
0xae: {  	[dreg:$0x2] =	wrdreg s2  }
0xaf: {  	[dreg:$0x3] =	wrdreg s24  }
0xb0: {  	[dreg:$0x4] =	wrdreg $0x31000  }
0xb1: {  	[dreg:$0x5] =	wrdreg $0x49800  }
0xb2: {  	[dreg:$0x6] =	wrdreg $0x62000  }
0xb3: {  	[dreg:$0x7] =	wrdreg $0x0  }
0xb4: {  	[dreg:$0x8] =	wrdreg $0x18800  }
0xb5: {  	[dreg:$0x9] =	wrdreg $0x9  }
0xb6: {  	_ =	task.clear_ibuf [dreg:s7], $0xAFFFF;
	_ =	strace $0x90000046  }
0xb7: {  	s29 =	simm.s32 $0x9;
	_ =	strace $0x80000048  }
0xb8: {  	_ =	swait.ge [sflag:s29], $0x1  }
0xb9: {  	[sflag:s29] =	ssyncadd.s32 $0xFFFFFFFF  }
0xba: {  	_ =	strace $0x90000048  }
0xbb: {  	_ =	sfence  }
0xbc: {  	s30 =	sld [smem:$0x0];
	_ =	sdelay $0x2  }
0xbd: {  	s31 =	sshll.u32 s1, $0xD;
	s1 =	sshrl.u32 s1, $0x2  }
0xbe: {  	s3 =	sand.u32 $0x4000, s31;
	s1 =	sadd.s32 s1, s30  }
0xbf: {  	s0 =	sor.u32 s3, s0;
	s1 =	sshll.u32 s1, $0x11  }
0xc0: {  	s0 =	sor.u32 s1, s0  }
0xc1: {  	s0 =	sadd.s32 $0x8F2B, s0  }
0xc2: {  	[sflag:s0] =	ssyncadd.remote.s32 $0x1  }
0xc3: {  	_ =	sfence.sel $0xFFFF  }
0xc4: {  	[dreg:$0x0] =	wrdreg $0xFFFFFFFF;
	(pc) =	sbr.abs _section_cstart, $3  }
0xc5: {  	[dreg:$0x1] =	wrdreg $0xFFFFFFFF  }
0xc6: {  	_ =	task.clear_ibuf [dreg:s7], $0x2FFFF;
	_ =	strace $0x9FFFFFFF  }
0xc7: {  	(tm) =	ssettm $0x7FFFFFFF  }
tec
execute0_lowered:
.L_overlay_start_1:
0x0: {  	(tag) =	ssettag $0x1  }
0x1: {  	s0 =	rddreg [dreg:$0x0]  }
0x2: {  	s3 =	rddreg [dreg:$0x1]  }
0x3: {  	s1 =	rddreg [dreg:$0x2]  }
0x4: {  	s2 =	rddreg [dreg:$0x3]  }
0x5: {  	s4 =	rddreg [dreg:$0x4]  }
0x6: {  	s5 =	rddreg [dreg:$0x5]  }
0x7: {  	s6 =	rddreg [dreg:$0x6];
	s10 =	stileid.u32  }
0x8: {  	s7 =	simm.s32 $0x0;
	s9 =	srdreg.scid;
	s31 =	simm.s32 $0x4  }
0x9: {  	s8 =	smul.u32 $0x61A8, s10;
	[smem:$0x7FF] =	sst s7;
	s9 =	sand.u32 $0x1, s9  }
0xa: {  	s16 =	smul.u32 $0x1880, s10;
	s20 =	sadd.s32 $0x1800, s3;
	s11 =	sadd.s32 $0x18B800, s3  }
0xb: {  	s14 =	sadd.s32 $0x18B600, s3;
	s17 =	sadd.s32 $0x18BE00, s3;
	s10 =	simm.s32 $0x6  }
0xc: {  	_ =	strace $0x80000047;
	s12 =	smul.u32 $0x62000, s9;
	[dreg:$0xa] =	wrdreg s11  }
0xd: {  	s21 =	ssub.s32 $0x2, s9;
	[dreg:$0xb] =	wrdreg s14;
	p0 =	sne.s32 s9, $0x0  }
0xe: {  	[dreg:$0xc] =	wrdreg s17;
	s9 =	simm.s32 $0x0;
	s8 =	sadd.s32 s8, s3  }
0xf: {  	s13 =	sadd.s32 $0xC40, s16;
	s22 =	sshrl.u32 s21, $0x1;
	[dreg:$0x8] =	wrdreg s16  }
0x10: {  	s25 =	sshrl.u32 s16, $0x3;
	s30 =	sadd.s32 s16, s2;
	[dreg:$0x9] =	wrdreg s12  }
0x11: {  	s12 =	sadd.s32 $0x31000, s12;
	s23 =	ssub.s32 s21, s22;
	s26 =	sadd.s32 s0, s25  }
0x12: {  	s14 =	sshrl.u32 s13, $0x3;
	s28 =	sadd.s32 s13, s2;
	[dreg:$0x1a] =	wrdreg s30  }
0x13: {  	s29 =	sadd.s32 s13, s4;
	s19 =	sadd.s32 s13, s5;
	[dreg:$0xf] =	wrdreg s26  }
0x14: {  	s21 =	sadd.s32 s16, s4;
	s22 =	sadd.s32 s16, s5;
	[dreg:$0x16] =	wrdreg s19  }
0x15: {  	s15 =	sadd.s32 s13, s12;
	s3 =	smax.u32 s23, $0x1;
	[dreg:$0x1b] =	wrdreg s21  }
0x16: {  	s0 =	sadd.s32 s0, s14;
	s18 =	sadd.s32 s16, s12;
	[dreg:$0x1c] =	wrdreg s22  }
0x17: {  	s26 =	sadd.s32 $0x4A00, s8;
	s23 =	sadd.s32 s16, s6;
	[dreg:$0x14] =	wrdreg s28  }
0x18: {  	s12 =	simm.s32 $0x17200;
	s22 =	simm.s32 $0x2;
	[dreg:$0x15] =	wrdreg s29  }
0x19: {  	s19 =	simm.s32 $0x2710;
	s21 =	simm.s32 $0xF100;
	[dreg:$0xe] =	wrdreg s3  }
0x1a: {  	s24 =	sshrl.u32 s15, $0x3;
	s3 =	sadd.s32 s20, s25;
	[dreg:$0x11] =	wrdreg s0  }
0x1b: {  	s15 =	sadd.s32 s20, s14;
	s14 =	sadd.s32 s13, s1;
	[dreg:$0x1d] =	wrdreg s23  }
0x1c: {  	s0 =	sshrl.u32 s18, $0x3;
	s20 =	sadd.s32 s13, s6;
	[dreg:$0x10] =	wrdreg s3  }
0x1d: {  	s25 =	sadd.s32 $0xC8000, s8;
	s18 =	simm.s32 $0x1;
	[dreg:$0x12] =	wrdreg s15  }
0x1e: {  	s23 =	simm.s32 $0x3;
	s13 =	simm.s32 $0x7A80;
	[dreg:$0x17] =	wrdreg s20  }
0x1f: {  	s11 =	sadd.s32 s17, s24;
	s0 =	sadd.s32 s17, s0;
	[dreg:$0x13] =	wrdreg s14  }
0x20: {  	s17 =	sadd.s32 s16, s1;
	s15 =	simm.s32 $0x18B00;
	[dreg:$0x18] =	wrdreg s0  }
0x21: {  	s16 =	simm.s32 $0x16580;
	s3 =	simm.s32 $0x5;
	[dreg:$0xd] =	wrdreg s11  }
0x22: {  	s20 =	simm.s32 $0xC980;
	s0 =	sadd.s32 $0x3100, s0;
	[dreg:$0x19] =	wrdreg s17  }
0x23: {  	s24 =	sadd.s32 $0x3100, s11;
	s11 =	simm.s32 $0x11880;
	[dreg:$0x1e] =	wrdreg s0  }
0x24: {  	[dreg:$0x1f] =	wrdreg s24;
	s0 =	simm.s32 $0x7;
	s24 =	simm.s32 $0xA200  }
.LBB2_1:
0x25: {  	[smem:$0x7FD] =	sst s9  }
0x26: {  	s8 =	rddreg [dreg:$0xa];
	s9 =	simm.s32 $0x8  }
0x27: {  	[tilespmem:s11], [sflag:$0x8] =	stream.linear.gather [hbm4b:s8+s7], $0x2780, $0x38;
	[tilespmem:$0x19780] =	vst v63  }
0x28: {  	_ =	swait.ge [sflag:s9], $0x2780  }
0x29: {  	[sflag:s9] =	ssyncset.done $0x0  }
0x2a: {  	s8 =	rddreg [dreg:$0xb];
	[sflag:s9] =	ssyncadd.s32 $0xFFFFD880  }
0x2b: {  	[tilespmem:s15], [sflag:$0x8] =	stream.linear.gather [hbm4b:s8+s7], $0xC80, $0x38;
	[tilespmem:$0x19780] =	vst v63  }
0x2c: {  	_ =	swait.ge [sflag:s9], $0xC80  }
0x2d: {  	[sflag:s9] =	ssyncset.done $0x0  }
0x2e: {  	[sflag:s9] =	ssyncadd.s32 $0xFFFFF380;
	s9 =	rddreg [dreg:$0xf]  }
0x2f: {  	[tilespmem:s16], [sflag:$0x1] =	stream.linear.gather [hbm4b:s9+s7], $0xC40, $0x38;
	[tilespmem:$0x19780] =	vst v63  }
0x30: {  	s9 =	rddreg [dreg:$0x10]  }
0x31: {  	[tilespmem:s12], [sflag:$0x2] =	stream.linear.gather [hbm4b:s9+s7], $0xC40, $0x38;
	[tilespmem:$0x19780] =	vst v63  }
0x32: {  	_ = 	snop  }
0x33: {  	[spmem:s17] =	stream.linear.scatter [tilespmem:s15], [sflag:$0x3], $0xC40, $0x38;
	[tilespmem:$0x19780] =	vst v63  }
0x34: {  	_ = 	snop  }
0x35: {  	[spmem:s30] =	stream.linear.scatter [tilespmem:s15], [sflag:$0x4], $0xC40, $0x38;
	[tilespmem:$0x19780] =	vst v63  }
0x36: {  	s9 =	rddreg [dreg:$0x1b]  }
0x37: {  	[spmem:s9] =	stream.linear.scatter [tilespmem:s15], [sflag:$0x7], $0xC40, $0x38;
	[tilespmem:$0x19780] =	vst v63  }
0x38: {  	_ =	swait.ge [sflag:s18], $0xC40  }
0x39: {  	[sflag:s18] =	ssyncset.done $0x0  }
0x3a: {  	s17 =	rddreg [dreg:$0x1c];
	[sflag:s18] =	ssyncadd.s32 $0xFFFFF3C0  }
0x3b: {  	[spmem:s17] =	stream.linear.scatter [tilespmem:s16], [sflag:$0x5], $0xC40, $0x38;
	[tilespmem:$0x19780] =	vst v63  }
0x3c: {  	_ =	swait.ge [sflag:s22], $0xC40  }
0x3d: {  	[sflag:s22] =	ssyncset.done $0x0  }
0x3e: {  	s30 =	rddreg [dreg:$0x1d];
	[sflag:s22] =	ssyncadd.s32 $0xFFFFF3C0  }
0x3f: {  	[spmem:s30] =	stream.linear.scatter [tilespmem:s12], [sflag:$0x6], $0xC40, $0x38;
	[tilespmem:$0x19780] =	vst v63  }
0x40: {  	_ =	swait.ge [sflag:s23], $0xC40  }
0x41: {  	[sflag:s23] =	ssyncset.done $0x0  }
0x42: {  	[sflag:s23] =	ssyncadd.s32 $0xFFFFF3C0  }
0x43: {  	_ =	swait.ge [sflag:s31], $0xC40  }
0x44: {  	[sflag:s31] =	ssyncset.done $0x0  }
0x45: {  	[sflag:s31] =	ssyncadd.s32 $0xFFFFF3C0  }
0x46: {  	_ =	swait.ge [sflag:s0], $0xC40  }
0x47: {  	[sflag:s0] =	ssyncset.done $0x0  }
0x48: {  	[sflag:s0] =	ssyncadd.s32 $0xFFFFF3C0  }
0x49: {  	_ =	swait.ge [sflag:s3], $0xC40  }
0x4a: {  	[sflag:s3] =	ssyncset.done $0x0  }
0x4b: {  	[sflag:s3] =	ssyncadd.s32 $0xFFFFF3C0  }
0x4c: {  	_ =	swait.ge [sflag:s10], $0xC40  }
0x4d: {  	[sflag:s10] =	ssyncset.done $0x0  }
0x4e: {  	s9 =	rddreg [dreg:$0x11];
	[sflag:s10] =	ssyncadd.s32 $0xFFFFF3C0  }
0x4f: {  	[tilespmem:s16], [sflag:$0x1] =	stream.linear.gather [hbm4b:s9+s7], $0xC40, $0x38;
	[tilespmem:$0x19780] =	vst v63  }
0x50: {  	s17 =	rddreg [dreg:$0x12]  }
0x51: {  	[tilespmem:s12], [sflag:$0x2] =	stream.linear.gather [hbm4b:s17+s7], $0xC40, $0x38;
	[tilespmem:$0x19780] =	vst v63  }
0x52: {  	_ = 	snop  }
0x53: {  	[spmem:s14] =	stream.linear.scatter [tilespmem:s15], [sflag:$0x3], $0xC40, $0x38;
	[tilespmem:$0x19780] =	vst v63  }
0x54: {  	_ = 	snop  }
0x55: {  	[spmem:s28] =	stream.linear.scatter [tilespmem:s15], [sflag:$0x4], $0xC40, $0x38;
	[tilespmem:$0x19780] =	vst v63  }
0x56: {  	_ = 	snop  }
0x57: {  	[spmem:s29] =	stream.linear.scatter [tilespmem:s15], [sflag:$0x7], $0xC40, $0x38;
	[tilespmem:$0x19780] =	vst v63  }
0x58: {  	_ =	swait.ge [sflag:s18], $0xC40  }
0x59: {  	[sflag:s18] =	ssyncset.done $0x0  }
0x5a: {  	s29 =	rddreg [dreg:$0x16];
	[sflag:s18] =	ssyncadd.s32 $0xFFFFF3C0  }
0x5b: {  	[spmem:s29] =	stream.linear.scatter [tilespmem:s16], [sflag:$0x5], $0xC40, $0x38;
	[tilespmem:$0x19780] =	vst v63  }
0x5c: {  	_ =	swait.ge [sflag:s22], $0xC40  }
0x5d: {  	[sflag:s22] =	ssyncset.done $0x0  }
0x5e: {  	s30 =	rddreg [dreg:$0x17];
	[sflag:s22] =	ssyncadd.s32 $0xFFFFF3C0  }
0x5f: {  	[spmem:s30] =	stream.linear.scatter [tilespmem:s12], [sflag:$0x6], $0xC40, $0x38;
	[tilespmem:$0x19780] =	vst v63  }
0x60: {  	_ =	swait.ge [sflag:s23], $0xC40  }
0x61: {  	[sflag:s23] =	ssyncset.done $0x0  }
0x62: {  	[sflag:s23] =	ssyncadd.s32 $0xFFFFF3C0  }
0x63: {  	_ =	swait.ge [sflag:s31], $0xC40  }
0x64: {  	[sflag:s31] =	ssyncset.done $0x0  }
0x65: {  	[sflag:s31] =	ssyncadd.s32 $0xFFFFF3C0  }
0x66: {  	_ =	swait.ge [sflag:s0], $0xC40  }
0x67: {  	[sflag:s0] =	ssyncset.done $0x0  }
0x68: {  	[sflag:s0] =	ssyncadd.s32 $0xFFFFF3C0  }
0x69: {  	_ =	swait.ge [sflag:s3], $0xC40  }
0x6a: {  	[sflag:s3] =	ssyncset.done $0x0  }
0x6b: {  	[sflag:s3] =	ssyncadd.s32 $0xFFFFF3C0  }
.Ltmp0:
0x6c: {  	_ =	swait.ge [sflag:s10], $0xC40;
	(pc) =	sbr.rel @p0 .LBB2_5-.Ltmp0, $3  }
0x6d: {  	[sflag:s10] =	ssyncset.done $0x0  }
0x6e: {  	[sflag:s10] =	ssyncadd.s32 $0xFFFFF3C0  }
0x6f: {  	[bflag:$0x0] =	sbarrier.arrive $0xFFFF;
	_ =	sdelay $0x1  }
0x70: {  	s8 =	sadd.s32 $0x0, s26  }
0x71: {  	[tilespmem:s13], [sflag:$0x1] =	stream.linear.gather [hbm4b:s8+s7], $0x2710, $0x38;
	[tilespmem:$0x19780] =	vst v63  }
0x72: {  	s8 =	sadd.s32 $0x61A80, s8  }
0x73: {  	[tilespmem:s24], [sflag:$0x2] =	stream.linear.gather [hbm4b:s8+s7], $0x2710, $0x38;
	[tilespmem:$0x19780] =	vst v63  }
0x74: {  	_ =	swait.ge [sflag:s18], $0x2710  }
0x75: {  	[sflag:s18] =	ssyncset.done $0x0  }
0x76: {  	[sflag:s18] =	ssyncadd.s32 $0xFFFFD8F0  }
0x77: {  	[tilespmem:s20], [sflag:$0x3] =	stream.indirect.gather [spmem:s5], $0x1, s13, s19, $0xb8;
	[tilespmem:$0x19780] =	vst v63  }
0x78: {  	_ = 	snop  }
0x79: {  	[tilespmem:s21], [sflag:$0x4] =	stream.indirect.gather [spmem:s6], $0x1, s13, s19, $0xb8;
	[tilespmem:$0x19780] =	vst v63  }
0x7a: {  	_ =	swait.ge [sflag:s22], $0x2710  }
0x7b: {  	[sflag:s22] =	ssyncset.done $0x0  }
0x7c: {  	[sflag:s22] =	ssyncadd.s32 $0xFFFFD8F0  }
0x7d: {  	[spmem:s4] =	stream.indirect.scatter.add.f32 [tilespmem:s11], [sflag:$0x7], $0x1, s24, s19, $0xb8;
	[tilespmem:$0x19780] =	vst v63  }
0x7e: {  	_ =	swait.ge [sflag:s23], $0x2710  }
0x7f: {  	[sflag:s23] =	ssyncset.done $0x0  }
0x80: {  	[sflag:s23] =	ssyncadd.s32 $0xFFFFD8F0  }
0x81: {  	[spmem:s1] =	stream.indirect.scatter.add.f32 [tilespmem:s20], [sflag:$0x5], $0x1, s24, s19, $0xb8;
	[tilespmem:$0x19780] =	vst v63  }
0x82: {  	_ =	swait.ge [sflag:s31], $0x2710  }
0x83: {  	[sflag:s31] =	ssyncset.done $0x0  }
0x84: {  	[sflag:s31] =	ssyncadd.s32 $0xFFFFD8F0  }
0x85: {  	[spmem:s2] =	stream.indirect.scatter.add.f32 [tilespmem:s21], [sflag:$0x6], $0x1, s24, s19, $0xb8;
	[tilespmem:$0x19780] =	vst v63  }
0x86: {  	_ =	swait.ge [sflag:s0], $0x2710  }
0x87: {  	[sflag:s0] =	ssyncset.done $0x0  }
0x88: {  	[sflag:s0] =	ssyncadd.s32 $0xFFFFD8F0  }
0x89: {  	_ =	swait.ge [sflag:s3], $0x2710  }
0x8a: {  	[sflag:s3] =	ssyncset.done $0x0  }
0x8b: {  	[sflag:s3] =	ssyncadd.s32 $0xFFFFD8F0  }
0x8c: {  	_ =	swait.ge [sflag:s10], $0x2710  }
0x8d: {  	s14 =	simm.s32 $0x4E2;
	s8 =	simm.s32 $0x9C4;
	[sflag:s10] =	ssyncset.done $0x0  }
.LBB2_3:
0x8e: {  	s9 =	sadd.s32 s14, s26  }
0x8f: {  	[sflag:s10] =	ssyncadd.s32 $0xFFFFD8F0;
	s14 =	smov.u32 s8;
	s12 =	sadd.s32 $0x4E2, s8  }
0x90: {  	[tilespmem:s13], [sflag:$0x1] =	stream.linear.gather [hbm4b:s9+s7], $0x2710, $0x38;
	[tilespmem:$0x19780] =	vst v63  }
0x91: {  	p1 =	seq.s32 s8, $0x5CC6;
	s8 =	sadd.s32 $0x61A80, s9  }
0x92: {  	[tilespmem:s24], [sflag:$0x2] =	stream.linear.gather [hbm4b:s8+s7], $0x2710, $0x38;
	[tilespmem:$0x19780] =	vst v63  }
0x93: {  	_ =	swait.ge [sflag:s18], $0x2710  }
0x94: {  	[sflag:s18] =	ssyncset.done $0x0  }
0x95: {  	[sflag:s18] =	ssyncadd.s32 $0xFFFFD8F0  }
0x96: {  	[tilespmem:s20], [sflag:$0x3] =	stream.indirect.gather [spmem:s5], $0x1, s13, s19, $0xb8;
	[tilespmem:$0x19780] =	vst v63  }
0x97: {  	_ = 	snop  }
0x98: {  	[tilespmem:s21], [sflag:$0x4] =	stream.indirect.gather [spmem:s6], $0x1, s13, s19, $0xb8;
	[tilespmem:$0x19780] =	vst v63  }
0x99: {  	_ =	swait.ge [sflag:s22], $0x2710  }
0x9a: {  	[sflag:s22] =	ssyncset.done $0x0  }
0x9b: {  	[sflag:s22] =	ssyncadd.s32 $0xFFFFD8F0  }
0x9c: {  	[spmem:s4] =	stream.indirect.scatter.add.f32 [tilespmem:s11], [sflag:$0x7], $0x1, s24, s19, $0xb8;
	[tilespmem:$0x19780] =	vst v63  }
0x9d: {  	_ =	swait.ge [sflag:s23], $0x2710  }
0x9e: {  	[sflag:s23] =	ssyncset.done $0x0  }
0x9f: {  	[sflag:s23] =	ssyncadd.s32 $0xFFFFD8F0  }
0xa0: {  	[spmem:s1] =	stream.indirect.scatter.add.f32 [tilespmem:s20], [sflag:$0x5], $0x1, s24, s19, $0xb8;
	[tilespmem:$0x19780] =	vst v63  }
0xa1: {  	_ =	swait.ge [sflag:s31], $0x2710  }
0xa2: {  	[sflag:s31] =	ssyncset.done $0x0  }
0xa3: {  	[sflag:s31] =	ssyncadd.s32 $0xFFFFD8F0  }
0xa4: {  	[spmem:s2] =	stream.indirect.scatter.add.f32 [tilespmem:s21], [sflag:$0x6], $0x1, s24, s19, $0xb8;
	[tilespmem:$0x19780] =	vst v63  }
0xa5: {  	_ =	swait.ge [sflag:s0], $0x2710  }
0xa6: {  	[sflag:s0] =	ssyncset.done $0x0  }
0xa7: {  	[sflag:s0] =	ssyncadd.s32 $0xFFFFD8F0  }
.Ltmp1:
0xa8: {  	_ =	swait.ge [sflag:s3], $0x2710;
	(pc) =	sbr.rel @!p1 .LBB2_3-.Ltmp1, $4  }
0xa9: {  	[sflag:s3] =	ssyncset.done $0x0  }
0xaa: {  	[sflag:s3] =	ssyncadd.s32 $0xFFFFD8F0  }
0xab: {  	_ =	swait.ge [sflag:s10], $0x2710  }
0xac: {  	s8 =	smov.u32 s12;
	[sflag:s10] =	ssyncset.done $0x0  }
0xad: {  	s8 =	sadd.s32 s14, s26;
	[sflag:s10] =	ssyncadd.s32 $0xFFFFD8F0  }
0xae: {  	[tilespmem:s13], [sflag:$0x1] =	stream.linear.gather [hbm4b:s8+s7], $0x2710, $0x38;
	[tilespmem:$0x19780] =	vst v63  }
0xaf: {  	s8 =	sadd.s32 $0x61A80, s8  }
0xb0: {  	[tilespmem:s24], [sflag:$0x2] =	stream.linear.gather [hbm4b:s8+s7], $0x2710, $0x38;
	[tilespmem:$0x19780] =	vst v63  }
0xb1: {  	_ =	swait.ge [sflag:s18], $0x2710  }
0xb2: {  	[sflag:s18] =	ssyncset.done $0x0  }
0xb3: {  	[sflag:s18] =	ssyncadd.s32 $0xFFFFD8F0  }
0xb4: {  	[tilespmem:s20], [sflag:$0x3] =	stream.indirect.gather [spmem:s5], $0x1, s13, s19, $0xb8;
	[tilespmem:$0x19780] =	vst v63  }
0xb5: {  	_ = 	snop  }
0xb6: {  	[tilespmem:s21], [sflag:$0x4] =	stream.indirect.gather [spmem:s6], $0x1, s13, s19, $0xb8;
	[tilespmem:$0x19780] =	vst v63  }
0xb7: {  	_ =	swait.ge [sflag:s22], $0x2710  }
0xb8: {  	[sflag:s22] =	ssyncset.done $0x0  }
0xb9: {  	[sflag:s22] =	ssyncadd.s32 $0xFFFFD8F0  }
0xba: {  	[spmem:s4] =	stream.indirect.scatter.add.f32 [tilespmem:s11], [sflag:$0x7], $0x1, s24, s19, $0xb8;
	[tilespmem:$0x19780] =	vst v63  }
0xbb: {  	_ =	swait.ge [sflag:s23], $0x2710  }
0xbc: {  	[sflag:s23] =	ssyncset.done $0x0  }
0xbd: {  	[sflag:s23] =	ssyncadd.s32 $0xFFFFD8F0  }
0xbe: {  	[spmem:s1] =	stream.indirect.scatter.add.f32 [tilespmem:s20], [sflag:$0x5], $0x1, s24, s19, $0xb8;
	[tilespmem:$0x19780] =	vst v63  }
0xbf: {  	_ =	swait.ge [sflag:s31], $0x2710  }
0xc0: {  	[sflag:s31] =	ssyncset.done $0x0  }
0xc1: {  	[sflag:s31] =	ssyncadd.s32 $0xFFFFD8F0  }
0xc2: {  	[spmem:s2] =	stream.indirect.scatter.add.f32 [tilespmem:s21], [sflag:$0x6], $0x1, s24, s19, $0xb8;
	[tilespmem:$0x19780] =	vst v63  }
0xc3: {  	_ =	swait.ge [sflag:s0], $0x2710  }
0xc4: {  	[sflag:s0] =	ssyncset.done $0x0  }
0xc5: {  	[sflag:s0] =	ssyncadd.s32 $0xFFFFD8F0  }
0xc6: {  	_ =	swait.ge [sflag:s3], $0x2710  }
.Ltmp2:
0xc7: {  	[sflag:s3] =	ssyncset.done $0x0;
	(pc) =	sbr.rel .LBB2_8-.Ltmp2, $4  }
0xc8: {  	[sflag:s3] =	ssyncadd.s32 $0xFFFFD8F0  }
0xc9: {  	_ =	swait.ge [sflag:s10], $0x2710  }
0xca: {  	[sflag:s10] =	ssyncset.done $0x0  }
0xcb: {  	[sflag:s10] =	ssyncadd.s32 $0xFFFFD8F0  }
.LBB2_5:
0xcc: {  	s8 =	sadd.s32 $0x0, s25  }
0xcd: {  	[tilespmem:s13], [sflag:$0x1] =	stream.linear.gather [hbm4b:s8+s7], $0x2710, $0x38;
	[tilespmem:$0x19780] =	vst v63  }
0xce: {  	s8 =	sadd.s32 $0x61A80, s8  }
0xcf: {  	[tilespmem:s24], [sflag:$0x2] =	stream.linear.gather [hbm4b:s8+s7], $0x2710, $0x38;
	[tilespmem:$0x19780] =	vst v63  }
0xd0: {  	_ =	swait.ge [sflag:s18], $0x2710  }
0xd1: {  	[sflag:s18] =	ssyncset.done $0x0  }
0xd2: {  	[sflag:s18] =	ssyncadd.s32 $0xFFFFD8F0  }
0xd3: {  	[tilespmem:s20], [sflag:$0x3] =	stream.indirect.gather [spmem:s5], $0x1, s13, s19, $0xb8;
	[tilespmem:$0x19780] =	vst v63  }
0xd4: {  	_ = 	snop  }
0xd5: {  	[tilespmem:s21], [sflag:$0x4] =	stream.indirect.gather [spmem:s6], $0x1, s13, s19, $0xb8;
	[tilespmem:$0x19780] =	vst v63  }
0xd6: {  	_ =	swait.ge [sflag:s22], $0x2710  }
0xd7: {  	[sflag:s22] =	ssyncset.done $0x0  }
0xd8: {  	[sflag:s22] =	ssyncadd.s32 $0xFFFFD8F0  }
0xd9: {  	[spmem:s4] =	stream.indirect.scatter.add.f32 [tilespmem:s11], [sflag:$0x7], $0x1, s24, s19, $0xb8;
	[tilespmem:$0x19780] =	vst v63  }
0xda: {  	_ =	swait.ge [sflag:s23], $0x2710  }
0xdb: {  	[sflag:s23] =	ssyncset.done $0x0  }
0xdc: {  	[sflag:s23] =	ssyncadd.s32 $0xFFFFD8F0  }
0xdd: {  	[spmem:s1] =	stream.indirect.scatter.add.f32 [tilespmem:s20], [sflag:$0x5], $0x1, s24, s19, $0xb8;
	[tilespmem:$0x19780] =	vst v63  }
0xde: {  	_ =	swait.ge [sflag:s31], $0x2710  }
0xdf: {  	[sflag:s31] =	ssyncset.done $0x0  }
0xe0: {  	[sflag:s31] =	ssyncadd.s32 $0xFFFFD8F0  }
0xe1: {  	[spmem:s2] =	stream.indirect.scatter.add.f32 [tilespmem:s21], [sflag:$0x6], $0x1, s24, s19, $0xb8;
	[tilespmem:$0x19780] =	vst v63  }
0xe2: {  	_ =	swait.ge [sflag:s0], $0x2710  }
0xe3: {  	[sflag:s0] =	ssyncset.done $0x0  }
0xe4: {  	[sflag:s0] =	ssyncadd.s32 $0xFFFFD8F0  }
0xe5: {  	_ =	swait.ge [sflag:s3], $0x2710  }
0xe6: {  	[sflag:s3] =	ssyncset.done $0x0  }
0xe7: {  	[sflag:s3] =	ssyncadd.s32 $0xFFFFD8F0  }
0xe8: {  	_ =	swait.ge [sflag:s10], $0x2710  }
0xe9: {  	s14 =	simm.s32 $0x4E2;
	s8 =	simm.s32 $0x9C4;
	[sflag:s10] =	ssyncset.done $0x0  }
.LBB2_6:
0xea: {  	s9 =	sadd.s32 s14, s25  }
0xeb: {  	[sflag:s10] =	ssyncadd.s32 $0xFFFFD8F0;
	s14 =	smov.u32 s8;
	s12 =	sadd.s32 $0x4E2, s8  }
0xec: {  	[tilespmem:s13], [sflag:$0x1] =	stream.linear.gather [hbm4b:s9+s7], $0x2710, $0x38;
	[tilespmem:$0x19780] =	vst v63  }
0xed: {  	p1 =	sne.s32 s8, $0x5CC6;
	s8 =	sadd.s32 $0x61A80, s9  }
0xee: {  	[tilespmem:s24], [sflag:$0x2] =	stream.linear.gather [hbm4b:s8+s7], $0x2710, $0x38;
	[tilespmem:$0x19780] =	vst v63  }
0xef: {  	_ =	swait.ge [sflag:s18], $0x2710  }
0xf0: {  	[sflag:s18] =	ssyncset.done $0x0  }
0xf1: {  	[sflag:s18] =	ssyncadd.s32 $0xFFFFD8F0  }
0xf2: {  	[tilespmem:s20], [sflag:$0x3] =	stream.indirect.gather [spmem:s5], $0x1, s13, s19, $0xb8;
	[tilespmem:$0x19780] =	vst v63  }
0xf3: {  	_ = 	snop  }
0xf4: {  	[tilespmem:s21], [sflag:$0x4] =	stream.indirect.gather [spmem:s6], $0x1, s13, s19, $0xb8;
	[tilespmem:$0x19780] =	vst v63  }
0xf5: {  	_ =	swait.ge [sflag:s22], $0x2710  }
0xf6: {  	[sflag:s22] =	ssyncset.done $0x0  }
0xf7: {  	[sflag:s22] =	ssyncadd.s32 $0xFFFFD8F0  }
0xf8: {  	[spmem:s4] =	stream.indirect.scatter.add.f32 [tilespmem:s11], [sflag:$0x7], $0x1, s24, s19, $0xb8;
	[tilespmem:$0x19780] =	vst v63  }
0xf9: {  	_ =	swait.ge [sflag:s23], $0x2710  }
0xfa: {  	[sflag:s23] =	ssyncset.done $0x0  }
0xfb: {  	[sflag:s23] =	ssyncadd.s32 $0xFFFFD8F0  }
0xfc: {  	[spmem:s1] =	stream.indirect.scatter.add.f32 [tilespmem:s20], [sflag:$0x5], $0x1, s24, s19, $0xb8;
	[tilespmem:$0x19780] =	vst v63  }
0xfd: {  	_ =	swait.ge [sflag:s31], $0x2710  }
0xfe: {  	[sflag:s31] =	ssyncset.done $0x0  }
0xff: {  	[sflag:s31] =	ssyncadd.s32 $0xFFFFD8F0  }
0x100: {  	[spmem:s2] =	stream.indirect.scatter.add.f32 [tilespmem:s21], [sflag:$0x6], $0x1, s24, s19, $0xb8;
	[tilespmem:$0x19780] =	vst v63  }
0x101: {  	_ =	swait.ge [sflag:s0], $0x2710  }
0x102: {  	[sflag:s0] =	ssyncset.done $0x0  }
0x103: {  	[sflag:s0] =	ssyncadd.s32 $0xFFFFD8F0  }
.Ltmp3:
0x104: {  	_ =	swait.ge [sflag:s3], $0x2710;
	(pc) =	sbr.rel @p1 .LBB2_6-.Ltmp3, $4  }
0x105: {  	[sflag:s3] =	ssyncset.done $0x0  }
0x106: {  	[sflag:s3] =	ssyncadd.s32 $0xFFFFD8F0  }
0x107: {  	_ =	swait.ge [sflag:s10], $0x2710  }
0x108: {  	s8 =	smov.u32 s12;
	[sflag:s10] =	ssyncset.done $0x0  }
0x109: {  	s8 =	sadd.s32 s14, s25;
	[sflag:s10] =	ssyncadd.s32 $0xFFFFD8F0  }
0x10a: {  	[tilespmem:s13], [sflag:$0x1] =	stream.linear.gather [hbm4b:s8+s7], $0x2710, $0x38;
	[tilespmem:$0x19780] =	vst v63  }
0x10b: {  	s8 =	sadd.s32 $0x61A80, s8  }
0x10c: {  	[tilespmem:s24], [sflag:$0x2] =	stream.linear.gather [hbm4b:s8+s7], $0x2710, $0x38;
	[tilespmem:$0x19780] =	vst v63  }
0x10d: {  	_ =	swait.ge [sflag:s18], $0x2710  }
0x10e: {  	[sflag:s18] =	ssyncset.done $0x0  }
0x10f: {  	[sflag:s18] =	ssyncadd.s32 $0xFFFFD8F0  }
0x110: {  	[tilespmem:s20], [sflag:$0x3] =	stream.indirect.gather [spmem:s5], $0x1, s13, s19, $0xb8;
	[tilespmem:$0x19780] =	vst v63  }
0x111: {  	_ = 	snop  }
0x112: {  	[tilespmem:s21], [sflag:$0x4] =	stream.indirect.gather [spmem:s6], $0x1, s13, s19, $0xb8;
	[tilespmem:$0x19780] =	vst v63  }
0x113: {  	_ =	swait.ge [sflag:s22], $0x2710  }
0x114: {  	[sflag:s22] =	ssyncset.done $0x0  }
0x115: {  	[sflag:s22] =	ssyncadd.s32 $0xFFFFD8F0  }
0x116: {  	[spmem:s4] =	stream.indirect.scatter.add.f32 [tilespmem:s11], [sflag:$0x7], $0x1, s24, s19, $0xb8;
	[tilespmem:$0x19780] =	vst v63  }
0x117: {  	_ =	swait.ge [sflag:s23], $0x2710  }
0x118: {  	[sflag:s23] =	ssyncset.done $0x0  }
0x119: {  	[sflag:s23] =	ssyncadd.s32 $0xFFFFD8F0  }
0x11a: {  	[spmem:s1] =	stream.indirect.scatter.add.f32 [tilespmem:s20], [sflag:$0x5], $0x1, s24, s19, $0xb8;
	[tilespmem:$0x19780] =	vst v63  }
0x11b: {  	_ =	swait.ge [sflag:s31], $0x2710  }
0x11c: {  	[sflag:s31] =	ssyncset.done $0x0  }
0x11d: {  	[sflag:s31] =	ssyncadd.s32 $0xFFFFD8F0  }
0x11e: {  	[spmem:s2] =	stream.indirect.scatter.add.f32 [tilespmem:s21], [sflag:$0x6], $0x1, s24, s19, $0xb8;
	[tilespmem:$0x19780] =	vst v63  }
0x11f: {  	_ =	swait.ge [sflag:s0], $0x2710  }
0x120: {  	[sflag:s0] =	ssyncset.done $0x0  }
0x121: {  	[sflag:s0] =	ssyncadd.s32 $0xFFFFD8F0  }
0x122: {  	_ =	swait.ge [sflag:s3], $0x2710  }
0x123: {  	[sflag:s3] =	ssyncset.done $0x0  }
0x124: {  	[sflag:s3] =	ssyncadd.s32 $0xFFFFD8F0  }
0x125: {  	_ =	swait.ge [sflag:s10], $0x2710  }
0x126: {  	[sflag:s10] =	ssyncset.done $0x0  }
0x127: {  	[sflag:s10] =	ssyncadd.s32 $0xFFFFD8F0  }
.LBB2_8:
0x128: {  	[bflag:$0x0] =	sbarrier.arrive $0xFFFF;
	s8 =	simm.s32 $0x0;
	p2 =	por $0x1, $0x1  }
.LBB2_9:
0x129: {  	s9 =	rddreg [dreg:$0x8]  }
0x12a: {  	s14 =	sadd.s32 s9, s8  }
0x12b: {  	s12 =	simm.s32 $0x14000;
	s28 =	sadd.s32 s14, s1  }
0x12c: {  	[tilespmem:s12], [sflag:$0x1] =	stream.linear.gather [spmem:s28], $0xC40, $0x38;
	[tilespmem:$0x19780] =	vst v63  }
0x12d: {  	s16 =	simm.s32 $0x14C80;
	s29 =	sadd.s32 s14, s2  }
0x12e: {  	[tilespmem:s16], [sflag:$0x2] =	stream.linear.gather [spmem:s29], $0xC40, $0x38;
	[tilespmem:$0x19780] =	vst v63  }
0x12f: {  	s17 =	simm.s32 $0x15900;
	s30 =	sadd.s32 s14, s4  }
0x130: {  	[tilespmem:s17], [sflag:$0x7] =	stream.linear.gather [spmem:s30], $0xC40, $0x38;
	[tilespmem:$0x19780] =	vst v63  }
0x131: {  	_ =	swait.ge [sflag:s18], $0xC40  }
0x132: {  	[sflag:s18] =	ssyncset.done $0x0  }
0x133: {  	[sflag:s18] =	ssyncadd.s32 $0xFFFFF3C0  }
0x134: {  	_ =	swait.ge [sflag:s22], $0xC40  }
0x135: {  	[sflag:s22] =	ssyncset.done $0x0  }
0x136: {  	[sflag:s22] =	ssyncadd.s32 $0xFFFFF3C0  }
0x137: {  	_ =	swait.ge [sflag:s0], $0xC40  }
0x138: {  	[sflag:s0] =	ssyncset.done $0x0  }
0x139: {  	s12 =	simm.s32 $0x0;
	[sflag:s0] =	ssyncadd.s32 $0xFFFFF3C0  }
0x13a: {  	v0 =	vld [tilespmem:s12+$0x15900];
	_ =	sdelay $0x4  }
0x13b: {  	s9 =	simm.s32 $0x10;
	v0 =	vmax.f32 v0, $1.000000000e+00  }
0x13c: {  	(erf) = vrcp.f32 v0;
	v0 =	vld [tilespmem:s9+$0x15900];
	_ =	sdelay $0x3  }
0x13d: {  	v3 =	vld [tilespmem:s12+$0x14000]  }
0x13e: {  	s8 =	simm.s32 $0x20;
	v4 =	vld [tilespmem:s12+$0x14C80];
	v0 =	vmax.f32 v0, $1.000000000e+00  }
0x13f: {  	v2 =	vld [tilespmem:s8+$0x15900];
	(erf) = vrcp.f32 v0  }
0x140: {  	v0 =	vld [tilespmem:s8+$0x14000];
	_ =	sdelay $0x1  }
0x141: {  	v5 =	vpop (erf)  }
0x142: {  	p1 =	por p2, p2;
	s16 =	simm.s32 $0xC0;
	v1 =	vld [tilespmem:s9+$0x14000];
	[tilespmem:s12+$0x17E80] =	vst v5;
	v3 =	vmul.f32 v5, v3;
	v4 =	vmul.f32 v4, v5  }
.LBB2_10:
0x143: {  	s17 =	sshra.s32 s16, $0x2;
	p2 =	sne.s32 s16, $0x30C0;
	s16 =	sadd.s32 $0x40, s16;
	v7 =	vmax.f32 v2, $1.000000000e+00;
	v6 =	vld [tilespmem:s9+$0x14C80]  }
.Ltmp4:
0x144: {  	v2 =	vld [tilespmem:s17+$0x15900];
	(erf) = vrcp.f32 v7;
	[tilespmem:s12+$0x17200] =	vst v4;
	v5 =	vmov v0;
	(pc) =	sbr.rel @p2 .LBB2_10-.Ltmp4, $4  }
0x145: {  	v0 =	vld [tilespmem:s17+$0x14000];
	[tilespmem:s12+$0x16580] =	vst v3;
	s12 =	smov.u32 s9;
	s9 =	smov.u32 s8;
	s8 =	smov.u32 s17  }
0x146: {  	_ = 	snop  }
0x147: {  	v4 =	vpop (erf)  }
0x148: {  	[tilespmem:s12+$0x17E80] =	vst v4;
	v3 =	vmul.f32 v4, v1;
	v4 =	vmul.f32 v6, v4;
	v1 =	vmov v5  }
0x149: {  	v2 =	vmax.f32 v2, $1.000000000e+00  }
0x14a: {  	(erf) = vrcp.f32 v2;
	_ =	sdelay $0x1  }
0x14b: {  	v60 =	vld [tilespmem:s9+$0x14C80];
	[tilespmem:s12+$0x17200] =	vst v4  }
0x14c: {  	[tilespmem:s12+$0x16580] =	vst v3;
	v61 =	vpop (erf)  }
0x14d: {  	[tilespmem:s9+$0x17E80] =	vst v61  }
0x14e: {  	v4 =	vld [tilespmem:s8+$0x14C80];
	_ =	sdelay $0x1  }
0x14f: {  	v2 =	vmul.f32 v60, v61  }
0x150: {  	v1 =	vmul.f32 v61, v1  }
0x151: {  	[tilespmem:s9+$0x17200] =	vst v2;
	v62 =	vpop (erf)  }
0x152: {  	[tilespmem:s9+$0x16580] =	vst v1;
	v63 =	vmul.f32 v4, v62  }
0x153: {  	[tilespmem:s8+$0x17E80] =	vst v62;
	v0 =	vmul.f32 v62, v0  }
0x154: {  	[tilespmem:s8+$0x17200] =	vst v63  }
0x155: {  	s9 =	simm.s32 $0x17E80;
	[tilespmem:s8+$0x16580] =	vst v0  }
0x156: {  	[spmem:s30] =	stream.linear.scatter [tilespmem:s9], [sflag:$0x7], $0xC40, $0x38;
	[tilespmem:$0x19780] =	vst v63  }
0x157: {  	_ = 	snop  }
0x158: {  	[spmem:s28] =	stream.linear.scatter [tilespmem:s15], [sflag:$0x1], $0xC40, $0x38;
	[tilespmem:$0x19780] =	vst v63  }
0x159: {  	_ = 	snop  }
0x15a: {  	[spmem:s29] =	stream.linear.scatter [tilespmem:s15], [sflag:$0x2], $0xC40, $0x38;
	[tilespmem:$0x19780] =	vst v63  }
0x15b: {  	s16 =	simm.s32 $0x16580;
	s29 =	rddreg [dreg:$0x9]  }
0x15c: {  	s17 =	sadd.s32 s14, s6;
	s12 =	sadd.s32 s14, s5;
	s8 =	sadd.s32 s29, s14  }
0x15d: {  	[spmem:s12] =	stream.linear.scatter [tilespmem:s16], [sflag:$0x3], $0xC40, $0x38;
	[tilespmem:$0x19780] =	vst v63  }
0x15e: {  	s30 =	rddreg [dreg:$0xc];
	s28 =	simm.s32 $0x17200;
	s8 =	sshrl.u32 s8, $0x3  }
0x15f: {  	[spmem:s17] =	stream.linear.scatter [tilespmem:s28], [sflag:$0x4], $0xC40, $0x38;
	[tilespmem:$0x19780] =	vst v63  }
0x160: {  	s8 =	sadd.s32 s30, s8  }
0x161: {  	[hbm4b:s8+s7] =	stream.linear.scatter [tilespmem:s16], [sflag:$0x5], $0xC40, $0x38;
	[tilespmem:$0x19780] =	vst v63  }
0x162: {  	s8 =	sadd.s32 $0x3100, s8  }
0x163: {  	[hbm4b:s8+s7] =	stream.linear.scatter [tilespmem:s28], [sflag:$0x6], $0xC40, $0x38;
	[tilespmem:$0x19780] =	vst v63  }
0x164: {  	_ =	swait.ge [sflag:s0], $0xC40  }
0x165: {  	[sflag:s0] =	ssyncset.done $0x0  }
0x166: {  	[sflag:s0] =	ssyncadd.s32 $0xFFFFF3C0  }
0x167: {  	_ =	swait.ge [sflag:s18], $0xC40  }
0x168: {  	[sflag:s18] =	ssyncset.done $0x0  }
0x169: {  	[sflag:s18] =	ssyncadd.s32 $0xFFFFF3C0  }
0x16a: {  	_ =	swait.ge [sflag:s22], $0xC40  }
0x16b: {  	[sflag:s22] =	ssyncset.done $0x0  }
0x16c: {  	[sflag:s22] =	ssyncadd.s32 $0xFFFFF3C0  }
0x16d: {  	_ =	swait.ge [sflag:s23], $0xC40  }
0x16e: {  	[sflag:s23] =	ssyncset.done $0x0  }
0x16f: {  	[sflag:s23] =	ssyncadd.s32 $0xFFFFF3C0  }
0x170: {  	_ =	swait.ge [sflag:s31], $0xC40  }
0x171: {  	[sflag:s31] =	ssyncset.done $0x0  }
0x172: {  	[sflag:s31] =	ssyncadd.s32 $0xFFFFF3C0  }
0x173: {  	_ =	swait.ge [sflag:s3], $0xC40  }
.Ltmp5:
0x174: {  	[sflag:s3] =	ssyncset.done $0x0;
	(pc) =	sbr.rel @p1 .LBB2_9-.Ltmp5, $4  }
0x175: {  	[sflag:s3] =	ssyncadd.s32 $0xFFFFF3C0  }
0x176: {  	_ =	swait.ge [sflag:s10], $0xC40  }
0x177: {  	[sflag:s10] =	ssyncset.done $0x0  }
0x178: {  	p2 =	por $0x0, $0x0;
	s8 =	simm.s32 $0xC40;
	[sflag:s10] =	ssyncadd.s32 $0xFFFFF3C0  }
.Ltmp6:
0x179: {  	(pc) =	sbr.rel @p0 .LBB2_16-.Ltmp6, $2  }
0x17a: {  	_ =	sdelay $0x1  }
0x17b: {  	[bflag:$0x0] =	sbarrier.arrive $0xFFFF;
	_ =	sdelay $0x1  }
0x17c: {  	s8 =	sadd.s32 $0x0, s26  }
0x17d: {  	[tilespmem:s13], [sflag:$0x1] =	stream.linear.gather [hbm4b:s8+s7], $0x2710, $0x38;
	[tilespmem:$0x19780] =	vst v63  }
0x17e: {  	s8 =	sadd.s32 $0x61A80, s8  }
0x17f: {  	[tilespmem:s24], [sflag:$0x2] =	stream.linear.gather [hbm4b:s8+s7], $0x2710, $0x38;
	[tilespmem:$0x19780] =	vst v63  }
0x180: {  	_ =	swait.ge [sflag:s18], $0x2710  }
0x181: {  	[sflag:s18] =	ssyncset.done $0x0  }
0x182: {  	[sflag:s18] =	ssyncadd.s32 $0xFFFFD8F0  }
0x183: {  	[tilespmem:s20], [sflag:$0x3] =	stream.indirect.gather [spmem:s5], $0x1, s13, s19, $0xb8;
	[tilespmem:$0x19780] =	vst v63  }
0x184: {  	_ = 	snop  }
0x185: {  	[tilespmem:s21], [sflag:$0x4] =	stream.indirect.gather [spmem:s6], $0x1, s13, s19, $0xb8;
	[tilespmem:$0x19780] =	vst v63  }
0x186: {  	_ =	swait.ge [sflag:s22], $0x2710  }
0x187: {  	[sflag:s22] =	ssyncset.done $0x0  }
0x188: {  	[sflag:s22] =	ssyncadd.s32 $0xFFFFD8F0  }
0x189: {  	_ =	swait.ge [sflag:s23], $0x2710  }
0x18a: {  	[sflag:s23] =	ssyncset.done $0x0  }
0x18b: {  	[sflag:s23] =	ssyncadd.s32 $0xFFFFD8F0  }
0x18c: {  	[spmem:s1] =	stream.indirect.scatter.add.f32 [tilespmem:s20], [sflag:$0x5], $0x1, s24, s19, $0xb8;
	[tilespmem:$0x19780] =	vst v63  }
0x18d: {  	_ =	swait.ge [sflag:s31], $0x2710  }
0x18e: {  	[sflag:s31] =	ssyncset.done $0x0  }
0x18f: {  	[sflag:s31] =	ssyncadd.s32 $0xFFFFD8F0  }
0x190: {  	[spmem:s2] =	stream.indirect.scatter.add.f32 [tilespmem:s21], [sflag:$0x6], $0x1, s24, s19, $0xb8;
	[tilespmem:$0x19780] =	vst v63  }
0x191: {  	_ =	swait.ge [sflag:s3], $0x2710  }
0x192: {  	[sflag:s3] =	ssyncset.done $0x0  }
0x193: {  	[sflag:s3] =	ssyncadd.s32 $0xFFFFD8F0  }
0x194: {  	_ =	swait.ge [sflag:s10], $0x2710  }
0x195: {  	s28 =	rddreg [dreg:$0x14]  }
0x196: {  	s29 =	rddreg [dreg:$0x15]  }
0x197: {  	s14 =	simm.s32 $0x4E2;
	s17 =	rddreg [dreg:$0x19]  }
0x198: {  	s8 =	simm.s32 $0x9C4;
	[sflag:s10] =	ssyncset.done $0x0;
	s30 =	rddreg [dreg:$0x1a]  }
.LBB2_14:
0x199: {  	s9 =	sadd.s32 s14, s26  }
0x19a: {  	[sflag:s10] =	ssyncadd.s32 $0xFFFFD8F0;
	s14 =	smov.u32 s8;
	s12 =	sadd.s32 $0x4E2, s8  }
0x19b: {  	[tilespmem:s13], [sflag:$0x1] =	stream.linear.gather [hbm4b:s9+s7], $0x2710, $0x38;
	[tilespmem:$0x19780] =	vst v63  }
0x19c: {  	p1 =	seq.s32 s8, $0x5CC6;
	s8 =	sadd.s32 $0x61A80, s9  }
0x19d: {  	[tilespmem:s24], [sflag:$0x2] =	stream.linear.gather [hbm4b:s8+s7], $0x2710, $0x38;
	[tilespmem:$0x19780] =	vst v63  }
0x19e: {  	_ =	swait.ge [sflag:s18], $0x2710  }
0x19f: {  	[sflag:s18] =	ssyncset.done $0x0  }
0x1a0: {  	[sflag:s18] =	ssyncadd.s32 $0xFFFFD8F0  }
0x1a1: {  	[tilespmem:s20], [sflag:$0x3] =	stream.indirect.gather [spmem:s5], $0x1, s13, s19, $0xb8;
	[tilespmem:$0x19780] =	vst v63  }
0x1a2: {  	_ = 	snop  }
0x1a3: {  	[tilespmem:s21], [sflag:$0x4] =	stream.indirect.gather [spmem:s6], $0x1, s13, s19, $0xb8;
	[tilespmem:$0x19780] =	vst v63  }
0x1a4: {  	_ =	swait.ge [sflag:s22], $0x2710  }
0x1a5: {  	[sflag:s22] =	ssyncset.done $0x0  }
0x1a6: {  	[sflag:s22] =	ssyncadd.s32 $0xFFFFD8F0  }
0x1a7: {  	_ =	swait.ge [sflag:s23], $0x2710  }
0x1a8: {  	[sflag:s23] =	ssyncset.done $0x0  }
0x1a9: {  	[sflag:s23] =	ssyncadd.s32 $0xFFFFD8F0  }
0x1aa: {  	[spmem:s1] =	stream.indirect.scatter.add.f32 [tilespmem:s20], [sflag:$0x5], $0x1, s24, s19, $0xb8;
	[tilespmem:$0x19780] =	vst v63  }
0x1ab: {  	_ =	swait.ge [sflag:s31], $0x2710  }
0x1ac: {  	[sflag:s31] =	ssyncset.done $0x0  }
0x1ad: {  	[sflag:s31] =	ssyncadd.s32 $0xFFFFD8F0  }
0x1ae: {  	[spmem:s2] =	stream.indirect.scatter.add.f32 [tilespmem:s21], [sflag:$0x6], $0x1, s24, s19, $0xb8;
	[tilespmem:$0x19780] =	vst v63  }
.Ltmp7:
0x1af: {  	_ =	swait.ge [sflag:s3], $0x2710;
	(pc) =	sbr.rel @!p1 .LBB2_14-.Ltmp7, $4  }
0x1b0: {  	[sflag:s3] =	ssyncset.done $0x0  }
0x1b1: {  	[sflag:s3] =	ssyncadd.s32 $0xFFFFD8F0  }
0x1b2: {  	_ =	swait.ge [sflag:s10], $0x2710  }
0x1b3: {  	s8 =	smov.u32 s12;
	[sflag:s10] =	ssyncset.done $0x0  }
0x1b4: {  	s8 =	sadd.s32 s14, s26;
	[sflag:s10] =	ssyncadd.s32 $0xFFFFD8F0  }
0x1b5: {  	[tilespmem:s13], [sflag:$0x1] =	stream.linear.gather [hbm4b:s8+s7], $0x2710, $0x38;
	[tilespmem:$0x19780] =	vst v63  }
0x1b6: {  	s8 =	sadd.s32 $0x61A80, s8  }
0x1b7: {  	[tilespmem:s24], [sflag:$0x2] =	stream.linear.gather [hbm4b:s8+s7], $0x2710, $0x38;
	[tilespmem:$0x19780] =	vst v63  }
0x1b8: {  	_ =	swait.ge [sflag:s18], $0x2710  }
0x1b9: {  	[sflag:s18] =	ssyncset.done $0x0  }
0x1ba: {  	[sflag:s18] =	ssyncadd.s32 $0xFFFFD8F0  }
0x1bb: {  	[tilespmem:s20], [sflag:$0x3] =	stream.indirect.gather [spmem:s5], $0x1, s13, s19, $0xb8;
	[tilespmem:$0x19780] =	vst v63  }
0x1bc: {  	_ = 	snop  }
0x1bd: {  	[tilespmem:s21], [sflag:$0x4] =	stream.indirect.gather [spmem:s6], $0x1, s13, s19, $0xb8;
	[tilespmem:$0x19780] =	vst v63  }
0x1be: {  	_ =	swait.ge [sflag:s22], $0x2710  }
0x1bf: {  	[sflag:s22] =	ssyncset.done $0x0  }
0x1c0: {  	[sflag:s22] =	ssyncadd.s32 $0xFFFFD8F0  }
0x1c1: {  	_ =	swait.ge [sflag:s23], $0x2710  }
0x1c2: {  	[sflag:s23] =	ssyncset.done $0x0  }
0x1c3: {  	[sflag:s23] =	ssyncadd.s32 $0xFFFFD8F0  }
0x1c4: {  	[spmem:s1] =	stream.indirect.scatter.add.f32 [tilespmem:s20], [sflag:$0x5], $0x1, s24, s19, $0xb8;
	[tilespmem:$0x19780] =	vst v63  }
0x1c5: {  	_ =	swait.ge [sflag:s31], $0x2710  }
0x1c6: {  	[sflag:s31] =	ssyncset.done $0x0  }
0x1c7: {  	[sflag:s31] =	ssyncadd.s32 $0xFFFFD8F0  }
0x1c8: {  	[spmem:s2] =	stream.indirect.scatter.add.f32 [tilespmem:s21], [sflag:$0x6], $0x1, s24, s19, $0xb8;
	[tilespmem:$0x19780] =	vst v63  }
0x1c9: {  	_ =	swait.ge [sflag:s3], $0x2710  }
.Ltmp8:
0x1ca: {  	[sflag:s3] =	ssyncset.done $0x0;
	(pc) =	sbr.rel .LBB2_19-.Ltmp8, $4  }
0x1cb: {  	[sflag:s3] =	ssyncadd.s32 $0xFFFFD8F0  }
0x1cc: {  	_ =	swait.ge [sflag:s10], $0x2710  }
0x1cd: {  	[sflag:s10] =	ssyncset.done $0x0  }
0x1ce: {  	[sflag:s10] =	ssyncadd.s32 $0xFFFFD8F0  }
.LBB2_16:
0x1cf: {  	s8 =	sadd.s32 $0x0, s25  }
0x1d0: {  	[tilespmem:s13], [sflag:$0x1] =	stream.linear.gather [hbm4b:s8+s7], $0x2710, $0x38;
	[tilespmem:$0x19780] =	vst v63  }
0x1d1: {  	s8 =	sadd.s32 $0x61A80, s8  }
0x1d2: {  	[tilespmem:s24], [sflag:$0x2] =	stream.linear.gather [hbm4b:s8+s7], $0x2710, $0x38;
	[tilespmem:$0x19780] =	vst v63  }
0x1d3: {  	_ =	swait.ge [sflag:s18], $0x2710  }
0x1d4: {  	[sflag:s18] =	ssyncset.done $0x0  }
0x1d5: {  	[sflag:s18] =	ssyncadd.s32 $0xFFFFD8F0  }
0x1d6: {  	[tilespmem:s20], [sflag:$0x3] =	stream.indirect.gather [spmem:s5], $0x1, s13, s19, $0xb8;
	[tilespmem:$0x19780] =	vst v63  }
0x1d7: {  	_ = 	snop  }
0x1d8: {  	[tilespmem:s21], [sflag:$0x4] =	stream.indirect.gather [spmem:s6], $0x1, s13, s19, $0xb8;
	[tilespmem:$0x19780] =	vst v63  }
0x1d9: {  	_ =	swait.ge [sflag:s22], $0x2710  }
0x1da: {  	[sflag:s22] =	ssyncset.done $0x0  }
0x1db: {  	[sflag:s22] =	ssyncadd.s32 $0xFFFFD8F0  }
0x1dc: {  	_ =	swait.ge [sflag:s23], $0x2710  }
0x1dd: {  	[sflag:s23] =	ssyncset.done $0x0  }
0x1de: {  	[sflag:s23] =	ssyncadd.s32 $0xFFFFD8F0  }
0x1df: {  	[spmem:s1] =	stream.indirect.scatter.add.f32 [tilespmem:s20], [sflag:$0x5], $0x1, s24, s19, $0xb8;
	[tilespmem:$0x19780] =	vst v63  }
0x1e0: {  	_ =	swait.ge [sflag:s31], $0x2710  }
0x1e1: {  	[sflag:s31] =	ssyncset.done $0x0  }
0x1e2: {  	[sflag:s31] =	ssyncadd.s32 $0xFFFFD8F0  }
0x1e3: {  	[spmem:s2] =	stream.indirect.scatter.add.f32 [tilespmem:s21], [sflag:$0x6], $0x1, s24, s19, $0xb8;
	[tilespmem:$0x19780] =	vst v63  }
0x1e4: {  	_ =	swait.ge [sflag:s3], $0x2710  }
0x1e5: {  	[sflag:s3] =	ssyncset.done $0x0  }
0x1e6: {  	[sflag:s3] =	ssyncadd.s32 $0xFFFFD8F0  }
0x1e7: {  	_ =	swait.ge [sflag:s10], $0x2710  }
0x1e8: {  	s28 =	rddreg [dreg:$0x14]  }
0x1e9: {  	s29 =	rddreg [dreg:$0x15]  }
0x1ea: {  	s14 =	simm.s32 $0x4E2;
	s17 =	rddreg [dreg:$0x19]  }
0x1eb: {  	s8 =	simm.s32 $0x9C4;
	[sflag:s10] =	ssyncset.done $0x0;
	s30 =	rddreg [dreg:$0x1a]  }
.LBB2_17:
0x1ec: {  	s9 =	sadd.s32 s14, s25  }
0x1ed: {  	[sflag:s10] =	ssyncadd.s32 $0xFFFFD8F0;
	s14 =	smov.u32 s8;
	s12 =	sadd.s32 $0x4E2, s8  }
0x1ee: {  	[tilespmem:s13], [sflag:$0x1] =	stream.linear.gather [hbm4b:s9+s7], $0x2710, $0x38;
	[tilespmem:$0x19780] =	vst v63  }
0x1ef: {  	p1 =	sne.s32 s8, $0x5CC6;
	s8 =	sadd.s32 $0x61A80, s9  }
0x1f0: {  	[tilespmem:s24], [sflag:$0x2] =	stream.linear.gather [hbm4b:s8+s7], $0x2710, $0x38;
	[tilespmem:$0x19780] =	vst v63  }
0x1f1: {  	_ =	swait.ge [sflag:s18], $0x2710  }
0x1f2: {  	[sflag:s18] =	ssyncset.done $0x0  }
0x1f3: {  	[sflag:s18] =	ssyncadd.s32 $0xFFFFD8F0  }
0x1f4: {  	[tilespmem:s20], [sflag:$0x3] =	stream.indirect.gather [spmem:s5], $0x1, s13, s19, $0xb8;
	[tilespmem:$0x19780] =	vst v63  }
0x1f5: {  	_ = 	snop  }
0x1f6: {  	[tilespmem:s21], [sflag:$0x4] =	stream.indirect.gather [spmem:s6], $0x1, s13, s19, $0xb8;
	[tilespmem:$0x19780] =	vst v63  }
0x1f7: {  	_ =	swait.ge [sflag:s22], $0x2710  }
0x1f8: {  	[sflag:s22] =	ssyncset.done $0x0  }
0x1f9: {  	[sflag:s22] =	ssyncadd.s32 $0xFFFFD8F0  }
0x1fa: {  	_ =	swait.ge [sflag:s23], $0x2710  }
0x1fb: {  	[sflag:s23] =	ssyncset.done $0x0  }
0x1fc: {  	[sflag:s23] =	ssyncadd.s32 $0xFFFFD8F0  }
0x1fd: {  	[spmem:s1] =	stream.indirect.scatter.add.f32 [tilespmem:s20], [sflag:$0x5], $0x1, s24, s19, $0xb8;
	[tilespmem:$0x19780] =	vst v63  }
0x1fe: {  	_ =	swait.ge [sflag:s31], $0x2710  }
0x1ff: {  	[sflag:s31] =	ssyncset.done $0x0  }
0x200: {  	[sflag:s31] =	ssyncadd.s32 $0xFFFFD8F0  }
0x201: {  	[spmem:s2] =	stream.indirect.scatter.add.f32 [tilespmem:s21], [sflag:$0x6], $0x1, s24, s19, $0xb8;
	[tilespmem:$0x19780] =	vst v63  }
.Ltmp9:
0x202: {  	_ =	swait.ge [sflag:s3], $0x2710;
	(pc) =	sbr.rel @p1 .LBB2_17-.Ltmp9, $4  }
0x203: {  	[sflag:s3] =	ssyncset.done $0x0  }
0x204: {  	[sflag:s3] =	ssyncadd.s32 $0xFFFFD8F0  }
0x205: {  	_ =	swait.ge [sflag:s10], $0x2710  }
0x206: {  	s8 =	smov.u32 s12;
	[sflag:s10] =	ssyncset.done $0x0  }
0x207: {  	s8 =	sadd.s32 s14, s25;
	[sflag:s10] =	ssyncadd.s32 $0xFFFFD8F0  }
0x208: {  	[tilespmem:s13], [sflag:$0x1] =	stream.linear.gather [hbm4b:s8+s7], $0x2710, $0x38;
	[tilespmem:$0x19780] =	vst v63  }
0x209: {  	s8 =	sadd.s32 $0x61A80, s8  }
0x20a: {  	[tilespmem:s24], [sflag:$0x2] =	stream.linear.gather [hbm4b:s8+s7], $0x2710, $0x38;
	[tilespmem:$0x19780] =	vst v63  }
0x20b: {  	_ =	swait.ge [sflag:s18], $0x2710  }
0x20c: {  	[sflag:s18] =	ssyncset.done $0x0  }
0x20d: {  	[sflag:s18] =	ssyncadd.s32 $0xFFFFD8F0  }
0x20e: {  	[tilespmem:s20], [sflag:$0x3] =	stream.indirect.gather [spmem:s5], $0x1, s13, s19, $0xb8;
	[tilespmem:$0x19780] =	vst v63  }
0x20f: {  	_ = 	snop  }
0x210: {  	[tilespmem:s21], [sflag:$0x4] =	stream.indirect.gather [spmem:s6], $0x1, s13, s19, $0xb8;
	[tilespmem:$0x19780] =	vst v63  }
0x211: {  	_ =	swait.ge [sflag:s22], $0x2710  }
0x212: {  	[sflag:s22] =	ssyncset.done $0x0  }
0x213: {  	[sflag:s22] =	ssyncadd.s32 $0xFFFFD8F0  }
0x214: {  	_ =	swait.ge [sflag:s23], $0x2710  }
0x215: {  	[sflag:s23] =	ssyncset.done $0x0  }
0x216: {  	[sflag:s23] =	ssyncadd.s32 $0xFFFFD8F0  }
0x217: {  	[spmem:s1] =	stream.indirect.scatter.add.f32 [tilespmem:s20], [sflag:$0x5], $0x1, s24, s19, $0xb8;
	[tilespmem:$0x19780] =	vst v63  }
0x218: {  	_ =	swait.ge [sflag:s31], $0x2710  }
0x219: {  	[sflag:s31] =	ssyncset.done $0x0  }
0x21a: {  	[sflag:s31] =	ssyncadd.s32 $0xFFFFD8F0  }
0x21b: {  	[spmem:s2] =	stream.indirect.scatter.add.f32 [tilespmem:s21], [sflag:$0x6], $0x1, s24, s19, $0xb8;
	[tilespmem:$0x19780] =	vst v63  }
0x21c: {  	_ =	swait.ge [sflag:s3], $0x2710  }
0x21d: {  	[sflag:s3] =	ssyncset.done $0x0  }
0x21e: {  	[sflag:s3] =	ssyncadd.s32 $0xFFFFD8F0  }
0x21f: {  	_ =	swait.ge [sflag:s10], $0x2710  }
0x220: {  	[sflag:s10] =	ssyncset.done $0x0  }
0x221: {  	[sflag:s10] =	ssyncadd.s32 $0xFFFFD8F0  }
.LBB2_19:
0x222: {  	[bflag:$0x0] =	sbarrier.arrive $0xFFFF;
	s8 =	simm.s32 $0x14000  }
0x223: {  	[tilespmem:s8], [sflag:$0x1] =	stream.linear.gather [spmem:s17], $0xC40, $0x38;
	[tilespmem:$0x19780] =	vst v63  }
0x224: {  	s12 =	simm.s32 $0x14C80  }
0x225: {  	[tilespmem:s12], [sflag:$0x2] =	stream.linear.gather [spmem:s30], $0xC40, $0x38;
	[tilespmem:$0x19780] =	vst v63  }
0x226: {  	s9 =	simm.s32 $0x15900;
	s14 =	rddreg [dreg:$0x1b]  }
0x227: {  	[tilespmem:s9], [sflag:$0x7] =	stream.linear.gather [spmem:s14], $0xC40, $0x38;
	[tilespmem:$0x19780] =	vst v63  }
0x228: {  	_ =	swait.ge [sflag:s18], $0xC40  }
0x229: {  	[sflag:s18] =	ssyncset.done $0x0  }
0x22a: {  	[sflag:s18] =	ssyncadd.s32 $0xFFFFF3C0  }
0x22b: {  	_ =	swait.ge [sflag:s22], $0xC40  }
0x22c: {  	[sflag:s22] =	ssyncset.done $0x0  }
0x22d: {  	[sflag:s22] =	ssyncadd.s32 $0xFFFFF3C0  }
0x22e: {  	_ =	swait.ge [sflag:s0], $0xC40  }
0x22f: {  	[sflag:s0] =	ssyncset.done $0x0  }
0x230: {  	s8 =	simm.s32 $0x0;
	[sflag:s0] =	ssyncadd.s32 $0xFFFFF3C0  }
0x231: {  	v0 =	vld [tilespmem:s8+$0x15900]  }
0x232: {  	v1 =	vld [tilespmem:s8+$0x14C80]  }
0x233: {  	v2 =	vld [tilespmem:s8+$0x14000]  }
0x234: {  	s9 =	simm.s32 $0x40;
	s14 =	rddreg [dreg:$0x13]  }
.LBB2_20:
0x235: {  	p1 =	sne.s32 s9, $0x30C0  }
.Ltmp10:
0x236: {  	s12 =	sshra.s32 s9, $0x2;
	v3 =	vmov v0;
	(pc) =	sbr.rel @p1 .LBB2_20-.Ltmp10, $4  }
0x237: {  	s9 =	sadd.s32 $0x40, s9;
	v0 =	vld [tilespmem:s12+$0x15900];
	v4 =	vmul.f32 v1, v3  }
0x238: {  	v1 =	vld [tilespmem:s12+$0x14C80];
	v3 =	vmul.f32 v2, v3  }
0x239: {  	v2 =	vld [tilespmem:s12+$0x14000];
	[tilespmem:s8+$0x17200] =	vst v4  }
0x23a: {  	[tilespmem:s8+$0x16580] =	vst v3;
	s8 =	smov.u32 s12  }
0x23b: {  	_ =	sdelay $0x1  }
0x23c: {  	v1 =	vmul.f32 v1, v0  }
0x23d: {  	v0 =	vmul.f32 v2, v0  }
0x23e: {  	[tilespmem:s8+$0x17200] =	vst v1  }
0x23f: {  	s9 =	rddreg [dreg:$0x18];
	[tilespmem:s8+$0x16580] =	vst v0;
	s8 =	simm.s32 $0x0  }
0x240: {  	[hbm4b:s9+s8] =	stream.linear.scatter [tilespmem:s16], [sflag:$0x5], $0xC40, $0x38;
	[tilespmem:$0x19780] =	vst v63  }
0x241: {  	s12 =	simm.s32 $0x17200;
	s9 =	rddreg [dreg:$0x1e]  }
0x242: {  	[hbm4b:s9+s8] =	stream.linear.scatter [tilespmem:s12], [sflag:$0x6], $0xC40, $0x38;
	[tilespmem:$0x19780] =	vst v63  }
0x243: {  	_ =	swait.ge [sflag:s3], $0xC40  }
0x244: {  	[sflag:s3] =	ssyncset.done $0x0  }
0x245: {  	[sflag:s3] =	ssyncadd.s32 $0xFFFFF3C0  }
0x246: {  	_ =	swait.ge [sflag:s10], $0xC40  }
0x247: {  	[sflag:s10] =	ssyncset.done $0x0  }
0x248: {  	s12 =	simm.s32 $0x14000;
	[sflag:s10] =	ssyncadd.s32 $0xFFFFF3C0  }
0x249: {  	[tilespmem:s12], [sflag:$0x1] =	stream.linear.gather [spmem:s14], $0xC40, $0x38;
	[tilespmem:$0x19780] =	vst v63  }
0x24a: {  	s9 =	simm.s32 $0x14C80  }
0x24b: {  	[tilespmem:s9], [sflag:$0x2] =	stream.linear.gather [spmem:s28], $0xC40, $0x38;
	[tilespmem:$0x19780] =	vst v63  }
0x24c: {  	s12 =	simm.s32 $0x15900  }
0x24d: {  	[tilespmem:s12], [sflag:$0x7] =	stream.linear.gather [spmem:s29], $0xC40, $0x38;
	[tilespmem:$0x19780] =	vst v63  }
0x24e: {  	_ =	swait.ge [sflag:s18], $0xC40  }
0x24f: {  	[sflag:s18] =	ssyncset.done $0x0  }
0x250: {  	[sflag:s18] =	ssyncadd.s32 $0xFFFFF3C0  }
0x251: {  	_ =	swait.ge [sflag:s22], $0xC40  }
0x252: {  	[sflag:s22] =	ssyncset.done $0x0  }
0x253: {  	[sflag:s22] =	ssyncadd.s32 $0xFFFFF3C0  }
0x254: {  	_ =	swait.ge [sflag:s0], $0xC40  }
0x255: {  	[sflag:s0] =	ssyncset.done $0x0  }
0x256: {  	s8 =	simm.s32 $0x0;
	[sflag:s0] =	ssyncadd.s32 $0xFFFFF3C0  }
0x257: {  	v0 =	vld [tilespmem:s8+$0x15900]  }
0x258: {  	v1 =	vld [tilespmem:s8+$0x14C80]  }
0x259: {  	v2 =	vld [tilespmem:s8+$0x14000]  }
0x25a: {  	s9 =	simm.s32 $0x40  }
.LBB2_22:
0x25b: {  	p1 =	sne.s32 s9, $0x30C0  }
.Ltmp11:
0x25c: {  	s12 =	sshra.s32 s9, $0x2;
	v3 =	vmov v0;
	(pc) =	sbr.rel @p1 .LBB2_22-.Ltmp11, $4  }
0x25d: {  	s9 =	sadd.s32 $0x40, s9;
	v0 =	vld [tilespmem:s12+$0x15900];
	v4 =	vmul.f32 v1, v3  }
0x25e: {  	v1 =	vld [tilespmem:s12+$0x14C80];
	v3 =	vmul.f32 v2, v3  }
0x25f: {  	v2 =	vld [tilespmem:s12+$0x14000];
	[tilespmem:s8+$0x17200] =	vst v4  }
0x260: {  	[tilespmem:s8+$0x16580] =	vst v3;
	s8 =	smov.u32 s12  }
0x261: {  	_ =	sdelay $0x1  }
0x262: {  	v1 =	vmul.f32 v1, v0  }
0x263: {  	v63 =	vmul.f32 v2, v0  }
0x264: {  	[tilespmem:s8+$0x17200] =	vst v1  }
0x265: {  	s12 =	rddreg [dreg:$0xd];
	[tilespmem:s8+$0x16580] =	vst v63  }
0x266: {  	[hbm4b:s12+s7] =	stream.linear.scatter [tilespmem:s16], [sflag:$0x5], $0xC40, $0x38;
	[tilespmem:$0x19780] =	vst v63  }
0x267: {  	s9 =	rddreg [dreg:$0x1f];
	s12 =	simm.s32 $0x17200  }
0x268: {  	[hbm4b:s9+s7] =	stream.linear.scatter [tilespmem:s12], [sflag:$0x6], $0xC40, $0x38;
	[tilespmem:$0x19780] =	vst v63  }
0x269: {  	_ =	swait.ge [sflag:s3], $0xC40  }
0x26a: {  	[sflag:s3] =	ssyncset.done $0x0  }
0x26b: {  	[sflag:s3] =	ssyncadd.s32 $0xFFFFF3C0  }
0x26c: {  	_ =	swait.ge [sflag:s10], $0xC40  }
0x26d: {  	s9 =	sld [smem:$0x7FD];
	_ =	sdelay $0x2  }
0x26e: {  	s8 =	rddreg [dreg:$0xe];
	s9 =	sadd.s32 $0x1, s9  }
0x26f: {  	p1 =	sne.s32 s9, s8  }
.Ltmp12:
0x270: {  	_ = 	snop;
	(pc) =	sbr.rel @p1 .LBB2_1-.Ltmp12, $3  }
0x271: {  	[sflag:s10] =	ssyncset.done $0x0  }
0x272: {  	[sflag:s10] =	ssyncadd.s32 $0xFFFFF3C0  }
0x273: {  	[bflag:$0x0] =	sbarrier.arrive $0xFFFF;
	_ =	sdelay $0x1  }
0x274: {  	_ =	sfence.sel $0x180000  }
0x275: {  	[bflag:$0x0] =	sbarrier.arrive $0xFFFF  }
0x276: {  	_ =	strace $0x90000047  }
0x277: {  	s0 =	stileid.u32;
	[bflag:$0x2] =	sbarrier.arrive $0xFFFF  }
0x278: {  	p0 =	sne.s32 s0, $0x0;
	s0 =	rddreg [dreg:$0x7]  }
0x279: {  	s0 =	sadd.s32 @!p0 $0x100000, s0  }
0x27a: {  	[sflag:s0] =	ssyncadd.tile.s32 @!p0 $0x1;
	_ =	shalt  }
.Lfunc_end2:
_tile_overlayer_lowered:
.L_overlay_start_2:
0x27b: {  	(tag) =	ssettag $0x2  }
0x27c: {  	s0 =	rddreg [dreg:$0x0];
	s2 =	stileid.u32  }
0x27d: {  	s1 =	rddreg [dreg:$0x1];
	p0 =	sne.s32 s2, $0x0  }
0x27e: {  	s3 =	rddreg [dreg:$0x2];
	[bflag:$0x3] =	sbarrier.arrive $0xFFFF;
	s2 =	simm.s32 @!p0 $0x1C08  }
0x27f: {  	[timem:s3], [sflag:s2] =	dma.local @!p0 [hbm:s0], s1  }
0x280: {  	s0 =	simm.s32 @!p0 $0x8  }
0x281: {  	_ =	swait.ge @!p0 [sflag:s0], s1  }
0x282: {  	s1 =	ssub.s32 @!p0 $0x0, s1;
	[sflag:s0] =	ssyncset.done @!p0 $0x0  }
0x283: {  	[sflag:s0] =	ssyncadd.s32 @!p0 s1  }
0x284: {  	[bflag:$0x3] =	sbarrier.arrive $0xFFFF  }
0x285: {  	_ =	shalt  }

</sc_bundles>
